<compile_context>
chip_gen: v7x
topology: tpu7x:2x2x1
jax: 0.10.2.dev20260603
libtpu: 0.0.44.dev20260713+nightly
codegen_flags: <defaults>
</compile_context>

<pallas_src>
import functools

import jax
import jax.numpy as jnp
from jax import lax
from jax.experimental import pallas as pl
from jax.experimental.pallas import tpu as pltpu
from jax.experimental.pallas import tpu_sc as plsc

NC = 2
NS = 16
L = 16
NW = NC * NS
N = 100_000
E = 6_400_000
EW = E // NW
CH = 4000
NCH = EW // CH
CH2 = 2000
NCH2 = EW // CH2
NPAD = 100_352
ZSL = NPAD // NS

_mesh = plsc.VectorSubcoreMesh(
    core_axis_name="c", subcore_axis_name="s", num_cores=NC, num_subcores=NS)


def _gs_body(f_hbm, gidx_hbm, sidx_hbm, out_hbm,
             table_v, gi_v, si_v, vals_v, zero_v, accum_sh):
    c = lax.axis_index("c")
    s = lax.axis_index("s")
    wid = c * NS + s

    pltpu.sync_copy(f_hbm, table_v)

    def zbody(j, carry):
        zero_v[pl.ds(j * L, L)] = jnp.zeros((L,), jnp.float32)
        return carry

    lax.fori_loop(0, ZSL // L, zbody, 0)
    pltpu.sync_copy(zero_v, accum_sh.at[pl.ds(s * ZSL, ZSL)])
    plsc.subcore_barrier()

    def chunk(i, carry):
        base = wid * EW + i * CH
        pltpu.sync_copy(gidx_hbm.at[pl.ds(base, CH)], gi_v)
        pltpu.sync_copy(sidx_hbm.at[pl.ds(base, CH)], si_v)

        def gbody(j, inner):
            idx = gi_v[pl.ds(j * L, L)]
            vals_v[pl.ds(j * L, L)] = plsc.load_gather(table_v, [idx])
            return inner

        lax.fori_loop(0, CH // L, gbody, 0)
        pltpu.sync_copy(vals_v, accum_sh.at[si_v], add=True)
        return carry

    lax.fori_loop(0, NCH, chunk, 0)
    plsc.subcore_barrier()

    pltpu.sync_copy(accum_sh.at[pl.ds(s * ZSL, ZSL)], zero_v)
    pltpu.sync_copy(zero_v, out_hbm.at[pl.ds(c * NPAD + s * ZSL, ZSL)])


def _gs2_body(f_hbm, src_hbm, dst_hbm, outs_hbm, outt_hbm,
              table_v, si_v, di_v, v1_v, v2_v, zero_v, accs_sh, acct_sh):
    c = lax.axis_index("c")
    s = lax.axis_index("s")
    wid = c * NS + s

    pltpu.sync_copy(f_hbm, table_v)

    def zbody(j, carry):
        zero_v[pl.ds(j * L, L)] = jnp.zeros((L,), jnp.float32)
        return carry

    lax.fori_loop(0, ZSL // L, zbody, 0)
    pltpu.sync_copy(zero_v, accs_sh.at[pl.ds(s * ZSL, ZSL)])
    pltpu.sync_copy(zero_v, acct_sh.at[pl.ds(s * ZSL, ZSL)])
    plsc.subcore_barrier()

    def chunk(i, carry):
        base = wid * EW + i * CH2
        pltpu.sync_copy(src_hbm.at[pl.ds(base, CH2)], si_v)
        pltpu.sync_copy(dst_hbm.at[pl.ds(base, CH2)], di_v)

        def gbody(j, inner):
            sidx = si_v[pl.ds(j * L, L)]
            didx = di_v[pl.ds(j * L, L)]
            v1_v[pl.ds(j * L, L)] = plsc.load_gather(table_v, [sidx])
            v2_v[pl.ds(j * L, L)] = plsc.load_gather(table_v, [didx])
            return inner

        lax.fori_loop(0, CH2 // L, gbody, 0)
        pltpu.sync_copy(v1_v, accs_sh.at[di_v], add=True)
        pltpu.sync_copy(v2_v, acct_sh.at[si_v], add=True)
        return carry

    lax.fori_loop(0, NCH2, chunk, 0)
    plsc.subcore_barrier()

    pltpu.sync_copy(accs_sh.at[pl.ds(s * ZSL, ZSL)], zero_v)
    pltpu.sync_copy(zero_v, outs_hbm.at[pl.ds(c * NPAD + s * ZSL, ZSL)])
    pltpu.sync_copy(acct_sh.at[pl.ds(s * ZSL, ZSL)], zero_v)
    pltpu.sync_copy(zero_v, outt_hbm.at[pl.ds(c * NPAD + s * ZSL, ZSL)])


_gs2 = pl.kernel(
    _gs2_body,
    out_type=(jax.ShapeDtypeStruct((NC * NPAD,), jnp.float32),
              jax.ShapeDtypeStruct((NC * NPAD,), jnp.float32)),
    mesh=_mesh,
    scratch_types=[
        pltpu.VMEM((N,), jnp.float32),
        pltpu.VMEM((CH2,), jnp.int32),
        pltpu.VMEM((CH2,), jnp.int32),
        pltpu.VMEM((CH2,), jnp.float32),
        pltpu.VMEM((CH2,), jnp.float32),
        pltpu.VMEM((ZSL,), jnp.float32),
        pltpu.VMEM_SHARED((NPAD,), jnp.float32),
        pltpu.VMEM_SHARED((NPAD,), jnp.float32),
    ],
    compiler_params=pltpu.CompilerParams(needs_layout_passes=False),
)


_gs = pl.kernel(
    _gs_body,
    out_type=jax.ShapeDtypeStruct((NC * NPAD,), jnp.float32),
    mesh=_mesh,
    scratch_types=[
        pltpu.VMEM((N,), jnp.float32),
        pltpu.VMEM((CH,), jnp.int32),
        pltpu.VMEM((CH,), jnp.int32),
        pltpu.VMEM((CH,), jnp.float32),
        pltpu.VMEM((ZSL,), jnp.float32),
        pltpu.VMEM_SHARED((NPAD,), jnp.float32),
    ],
    compiler_params=pltpu.CompilerParams(needs_layout_passes=False),
)


def kernel(atomic_numbers, edge_index):
    x0 = atomic_numbers
    src = edge_index[0]
    dst = edge_index[1]
    comb = lambda p: p[:N] + p[NPAD:NPAD + N]
    a = x0 * x0 * x0
    S1 = comb(_gs(a, src, dst))
    x1 = a * S1
    b = x1 * x1 * x1
    s2p, t2p = _gs2(b, src, dst)
    S2 = comb(s2p)
    T2 = comb(t2p)
    g1 = 3.0 * x1 * x1 * (S2 + T2)
    cval = g1 * a
    U = comb(_gs(cval, dst, src))
    forces = 3.0 * x0 * x0 * (g1 * S1 + U)
    energy = jnp.sum(b * S2)[None]
    return (energy, forces)

# --- scband reference (transcript-rebuilt; emitter-appended) ---
"""Pipeline reference for scband-simple-net-16286515986950 (READ-ONLY COPY).

The authoritative reference and input builder live on the scoring server;
editing this copy changes nothing except your own understanding.
"""

import jax, jax.numpy as jnp
import numpy as np

NLAYERS = 2
N_POW = 3
N_NODES = 100000
N_EDGES = 6400000


def _simple_layer(x, edge_index):
    # gather source/target node embeddings along edges
    x_source = x[edge_index[0]]
    x_target = x[edge_index[1]]
    edge_embeddings = jnp.power(x_source, N_POW) * jnp.power(x_target, N_POW)
    # scatter-add (index_add_) into destination nodes (node_offset = 0, single partition)
    new_node_embedding = jax.ops.segment_sum(edge_embeddings, edge_index[1], num_segments=x.shape[0])
    return new_node_embedding


def setup_inputs(seed: int = 0) -> dict:
    key = jax.random.key(seed)
    k1, k2 = jax.random.split(key)
    atomic_numbers = jax.random.uniform(k1, (N_NODES,), dtype=jnp.float32)
    edge_index = jax.random.randint(k2, (2, N_EDGES), 0, N_NODES, dtype=jnp.int32)
    return {"atomic_numbers": atomic_numbers, "edge_index": edge_index}


def reference(atomic_numbers, edge_index):
    def energy_fn(an):
        x = an
        for _ in range(NLAYERS):
            x = _simple_layer(x, edge_index)
        # energy_part = zeros(1).index_add_(0, zeros(N), final_node_embeddings) == sum over nodes
        energy_part = jax.ops.segment_sum(x, jnp.zeros(x.shape[0], dtype=jnp.int32), num_segments=1)
        return energy_part

    # forces = d(energy.sum())/d(atomic_numbers), computed inside forward as in the torch module
    energy, vjp_fn = jax.vjp(energy_fn, atomic_numbers)
    forces = vjp_fn(jnp.ones_like(energy))[0]
    return (energy, forces)

if __name__ == "__main__":
    import jax
    _d = setup_inputs()
    print(jax.jit(kernel)(*tuple(_d.values())))

</pallas_src>

<mosaic_0001>
#map = affine_map<(d0, d1) -> (0)>
module attributes {stable_mosaic.version = 14 : i64} {
  func.func @_gs_body(%arg0: i32, %arg1: i32, %arg2: memref<100000xf32, #tpu.memory_space<hbm>>, %arg3: memref<6400000xi32, #tpu.memory_space<hbm>>, %arg4: memref<6400000xi32, #tpu.memory_space<hbm>>, %arg5: memref<200704xf32, #tpu.memory_space<hbm>>, %arg6: memref<100000xf32, #tpu.memory_space<vmem>>, %arg7: memref<4000xi32, #tpu.memory_space<vmem>>, %arg8: memref<4000xi32, #tpu.memory_space<vmem>>, %arg9: memref<4000xf32, #tpu.memory_space<vmem>>, %arg10: memref<6272xf32, #tpu.memory_space<vmem>>, %arg11: memref<100352xf32, #tpu.memory_space<vmem_shared>>) attributes {dimension_semantics = [#tpu.dimension_semantics<core_parallel>, #tpu.dimension_semantics<subcore_parallel>], iteration_bounds = array<i64: 2, 16>, scalar_prefetch = 0 : i64, scratch_operands = 6 : i64, tpu.core_type = #tpu.core_type<sc_vector_subcore>, window_params = [{transform_indices = #map}, {transform_indices = #map}, {transform_indices = #map}, {transform_indices = #map}]} {
    %mul3A = arith.constant 16 : i32
    %mul3A_0 = arith.muli %arg0, %mul3A : i32
    %add3A = arith.addi %mul3A_0, %arg1 : i32
    "tpu.region"() ({
      %run_scoped3A = tpu.sem_alloc : memref<!tpu.dma_semaphore, #tpu.memory_space<semaphore_mem>>
      tpu.enqueue_dma source(%arg2 : memref<100000xf32, #tpu.memory_space<hbm>>) target(%arg6 : memref<100000xf32, #tpu.memory_space<vmem>>) target_semaphore(%run_scoped3A : memref<!tpu.dma_semaphore, #tpu.memory_space<semaphore_mem>>)
      tpu.wait_dma2 semaphore(%run_scoped3A : memref<!tpu.dma_semaphore, #tpu.memory_space<semaphore_mem>>) src(%arg2 : memref<100000xf32, #tpu.memory_space<hbm>>) dst(%arg6 : memref<100000xf32, #tpu.memory_space<vmem>>)
      tpu.yield
    }) : () -> ()
    %scan3A = arith.constant 0 : i32
    %scan3A_1 = arith.constant 0 : i32
    %scan3A_2 = arith.constant 392 : i32
    %scan3A_3 = arith.addi %scan3A_1, %scan3A_2 : i32
    %scan3A_4 = arith.constant 1 : i32
    scf.for %scan3A_22 = %scan3A_1 to %scan3A_3 step %scan3A_4  : i32 {
      %broadcast_in_dim3A = arith.constant 0.000000e+00 : f32
      %broadcast_in_dim3A_23 = vector.broadcast %broadcast_in_dim3A : f32 to vector<16xf32>
      %mul3A_24 = arith.constant 16 : i32
      %mul3A_25 = arith.muli %scan3A_22, %mul3A_24 : i32
      %swap3A = arith.index_cast %mul3A_25 : i32 to index
      %swap3A_26 = tpu.vector_load %arg10[%swap3A] {strides = array<i32>} : memref<6272xf32, #tpu.memory_space<vmem>>, vector<16xf32>,
      tpu.vector_store %arg10[%swap3A], %broadcast_in_dim3A_23 {strides = array<i32>} : memref<6272xf32, #tpu.memory_space<vmem>>, vector<16xf32>,
    }
    %scan3A_5 = arith.constant 392 : i32
    %mul3A_6 = arith.constant 6272 : i32
    %mul3A_7 = arith.muli %arg1, %mul3A_6 : i32
    "tpu.region"() ({
      %run_scoped3A = tpu.sem_alloc : memref<!tpu.dma_semaphore, #tpu.memory_space<semaphore_mem>>
      %dma_start3A = tpu.memref_slice %arg11[%mul3A_7] : memref<100352xf32, #tpu.memory_space<vmem_shared>> -> memref<6272xf32, #tpu.memory_space<vmem_shared>>
      %dma_start3A_22 = tpu.memref_slice %arg11[%mul3A_7] : memref<100352xf32, #tpu.memory_space<vmem_shared>> -> memref<6272xf32, #tpu.memory_space<vmem_shared>>
      tpu.enqueue_dma source(%arg10 : memref<6272xf32, #tpu.memory_space<vmem>>) target(%dma_start3A_22 : memref<6272xf32, #tpu.memory_space<vmem_shared>>) target_semaphore(%run_scoped3A : memref<!tpu.dma_semaphore, #tpu.memory_space<semaphore_mem>>)
      %dma_wait3A = tpu.memref_slice %arg11[%mul3A_7] : memref<100352xf32, #tpu.memory_space<vmem_shared>> -> memref<6272xf32, #tpu.memory_space<vmem_shared>>
      %dma_wait3A_23 = tpu.memref_slice %arg11[%mul3A_7] : memref<100352xf32, #tpu.memory_space<vmem_shared>> -> memref<6272xf32, #tpu.memory_space<vmem_shared>>
      tpu.wait_dma2 semaphore(%run_scoped3A : memref<!tpu.dma_semaphore, #tpu.memory_space<semaphore_mem>>) src(%arg10 : memref<6272xf32, #tpu.memory_space<vmem>>) dst(%dma_wait3A_23 : memref<6272xf32, #tpu.memory_space<vmem_shared>>)
      tpu.yield
    }) : () -> ()
    %barrier3A = arith.constant 0 : index
    tpu.barrier barrier_id(%barrier3A)
    %scan3A_8 = arith.constant 0 : i32
    %scan3A_9 = arith.constant 0 : i32
    %scan3A_10 = arith.constant 50 : i32
    %scan3A_11 = arith.addi %scan3A_9, %scan3A_10 : i32
    %scan3A_12 = arith.constant 1 : i32
    scf.for %scan3A_22 = %scan3A_9 to %scan3A_11 step %scan3A_12  : i32 {
      %mul3A_23 = arith.constant 200000 : i32
      %mul3A_24 = arith.muli %add3A, %mul3A_23 : i32
      %mul3A_25 = arith.constant 4000 : i32
      %mul3A_26 = arith.muli %scan3A_22, %mul3A_25 : i32
      %add3A_27 = arith.addi %mul3A_24, %mul3A_26 : i32
      "tpu.region"() ({
        %run_scoped3A = tpu.sem_alloc : memref<!tpu.dma_semaphore, #tpu.memory_space<semaphore_mem>>
        %dma_start3A = tpu.memref_slice %arg3[%add3A_27] : memref<6400000xi32, #tpu.memory_space<hbm>> -> memref<4000xi32, #tpu.memory_space<hbm>>
        %dma_start3A_34 = tpu.memref_slice %arg3[%add3A_27] : memref<6400000xi32, #tpu.memory_space<hbm>> -> memref<4000xi32, #tpu.memory_space<hbm>>
        tpu.enqueue_dma source(%dma_start3A_34 : memref<4000xi32, #tpu.memory_space<hbm>>) target(%arg7 : memref<4000xi32, #tpu.memory_space<vmem>>) target_semaphore(%run_scoped3A : memref<!tpu.dma_semaphore, #tpu.memory_space<semaphore_mem>>)
        %dma_wait3A = tpu.memref_slice %arg3[%add3A_27] : memref<6400000xi32, #tpu.memory_space<hbm>> -> memref<4000xi32, #tpu.memory_space<hbm>>
        %dma_wait3A_35 = tpu.memref_slice %arg3[%add3A_27] : memref<6400000xi32, #tpu.memory_space<hbm>> -> memref<4000xi32, #tpu.memory_space<hbm>>
        tpu.wait_dma2 semaphore(%run_scoped3A : memref<!tpu.dma_semaphore, #tpu.memory_space<semaphore_mem>>) src(%dma_wait3A_35 : memref<4000xi32, #tpu.memory_space<hbm>>) dst(%arg7 : memref<4000xi32, #tpu.memory_space<vmem>>)
        tpu.yield
      }) : () -> ()
      "tpu.region"() ({
        %run_scoped3A = tpu.sem_alloc : memref<!tpu.dma_semaphore, #tpu.memory_space<semaphore_mem>>
        %dma_start3A = tpu.memref_slice %arg4[%add3A_27] : memref<6400000xi32, #tpu.memory_space<hbm>> -> memref<4000xi32, #tpu.memory_space<hbm>>
        %dma_start3A_34 = tpu.memref_slice %arg4[%add3A_27] : memref<6400000xi32, #tpu.memory_space<hbm>> -> memref<4000xi32, #tpu.memory_space<hbm>>
        tpu.enqueue_dma source(%dma_start3A_34 : memref<4000xi32, #tpu.memory_space<hbm>>) target(%arg8 : memref<4000xi32, #tpu.memory_space<vmem>>) target_semaphore(%run_scoped3A : memref<!tpu.dma_semaphore, #tpu.memory_space<semaphore_mem>>)
        %dma_wait3A = tpu.memref_slice %arg4[%add3A_27] : memref<6400000xi32, #tpu.memory_space<hbm>> -> memref<4000xi32, #tpu.memory_space<hbm>>
        %dma_wait3A_35 = tpu.memref_slice %arg4[%add3A_27] : memref<6400000xi32, #tpu.memory_space<hbm>> -> memref<4000xi32, #tpu.memory_space<hbm>>
        tpu.wait_dma2 semaphore(%run_scoped3A : memref<!tpu.dma_semaphore, #tpu.memory_space<semaphore_mem>>) src(%dma_wait3A_35 : memref<4000xi32, #tpu.memory_space<hbm>>) dst(%arg8 : memref<4000xi32, #tpu.memory_space<vmem>>)
        tpu.yield
      }) : () -> ()
      %scan3A_28 = arith.constant 0 : i32
      %scan3A_29 = arith.constant 0 : i32
      %scan3A_30 = arith.constant 250 : i32
      %scan3A_31 = arith.addi %scan3A_29, %scan3A_30 : i32
      %scan3A_32 = arith.constant 1 : i32
      scf.for %scan3A_34 = %scan3A_29 to %scan3A_31 step %scan3A_32  : i32 {
        %mul3A_35 = arith.constant 16 : i32
        %mul3A_36 = arith.muli %scan3A_34, %mul3A_35 : i32
        %get3A = arith.index_cast %mul3A_36 : i32 to index
        %get3A_37 = tpu.vector_load %arg7[%get3A] {strides = array<i32>} : memref<4000xi32, #tpu.memory_space<vmem>>, vector<16xi32>,
        %gather3A = tpu.vector_load_idx %arg6[%get3A_37] : memref<100000xf32, #tpu.memory_space<vmem>>[vector<16xi32>], vector<16xf32>,
        %mul3A_38 = arith.constant 16 : i32
        %mul3A_39 = arith.muli %scan3A_34, %mul3A_38 : i32
        %swap3A = arith.index_cast %mul3A_39 : i32 to index
        %swap3A_40 = tpu.vector_load %arg9[%swap3A] {strides = array<i32>} : memref<4000xf32, #tpu.memory_space<vmem>>, vector<16xf32>,
        tpu.vector_store %arg9[%swap3A], %gather3A {strides = array<i32>} : memref<4000xf32, #tpu.memory_space<vmem>>, vector<16xf32>,
      }
      %scan3A_33 = arith.constant 250 : i32
      "tpu.region"() ({
        %run_scoped3A = tpu.sem_alloc : memref<!tpu.dma_semaphore, #tpu.memory_space<semaphore_mem>>
        %dma_start3A = arith.constant 0 : i32
        %dma_start3A_34 = tpu.memref_slice %arg11[%dma_start3A] : memref<100352xf32, #tpu.memory_space<vmem_shared>> -> memref<100352xf32, #tpu.memory_space<vmem_shared>>
        tpu.enqueue_indirect_dma source(%arg9 : memref<4000xf32, #tpu.memory_space<vmem>>) target(%dma_start3A_34 : memref<100352xf32, #tpu.memory_space<vmem_shared>>) offsets(%arg8 : memref<4000xi32, #tpu.memory_space<vmem>>) semaphore(%run_scoped3A : memref<!tpu.dma_semaphore, #tpu.memory_space<semaphore_mem>>) {add = true}
        %dma_wait3A = arith.constant 0 : i32
        %dma_wait3A_35 = tpu.memref_slice %arg11[%dma_wait3A] : memref<100352xf32, #tpu.memory_space<vmem_shared>> -> memref<100352xf32, #tpu.memory_space<vmem_shared>>
        tpu.wait_indirect_dma semaphore(%run_scoped3A : memref<!tpu.dma_semaphore, #tpu.memory_space<semaphore_mem>>) src(%arg9 : memref<4000xf32, #tpu.memory_space<vmem>>) dst(%dma_wait3A_35 : memref<100352xf32, #tpu.memory_space<vmem_shared>>)
        tpu.yield
      }) : () -> ()
    }
    %scan3A_13 = arith.constant 50 : i32
    %barrier3A_14 = arith.constant 0 : index
    tpu.barrier barrier_id(%barrier3A_14)
    %mul3A_15 = arith.constant 6272 : i32
    %mul3A_16 = arith.muli %arg1, %mul3A_15 : i32
    "tpu.region"() ({
      %run_scoped3A = tpu.sem_alloc : memref<!tpu.dma_semaphore, #tpu.memory_space<semaphore_mem>>
      %dma_start3A = tpu.memref_slice %arg11[%mul3A_16] : memref<100352xf32, #tpu.memory_space<vmem_shared>> -> memref<6272xf32, #tpu.memory_space<vmem_shared>>
      %dma_start3A_22 = tpu.memref_slice %arg11[%mul3A_16] : memref<100352xf32, #tpu.memory_space<vmem_shared>> -> memref<6272xf32, #tpu.memory_space<vmem_shared>>
      tpu.enqueue_dma source(%dma_start3A_22 : memref<6272xf32, #tpu.memory_space<vmem_shared>>) target(%arg10 : memref<6272xf32, #tpu.memory_space<vmem>>) target_semaphore(%run_scoped3A : memref<!tpu.dma_semaphore, #tpu.memory_space<semaphore_mem>>)
      %dma_wait3A = tpu.memref_slice %arg11[%mul3A_16] : memref<100352xf32, #tpu.memory_space<vmem_shared>> -> memref<6272xf32, #tpu.memory_space<vmem_shared>>
      %dma_wait3A_23 = tpu.memref_slice %arg11[%mul3A_16] : memref<100352xf32, #tpu.memory_space<vmem_shared>> -> memref<6272xf32, #tpu.memory_space<vmem_shared>>
      tpu.wait_dma2 semaphore(%run_scoped3A : memref<!tpu.dma_semaphore, #tpu.memory_space<semaphore_mem>>) src(%dma_wait3A_23 : memref<6272xf32, #tpu.memory_space<vmem_shared>>) dst(%arg10 : memref<6272xf32, #tpu.memory_space<vmem>>)
      tpu.yield
    }) : () -> ()
    %mul3A_17 = arith.constant 100352 : i32
    %mul3A_18 = arith.muli %arg0, %mul3A_17 : i32
    %mul3A_19 = arith.constant 6272 : i32
    %mul3A_20 = arith.muli %arg1, %mul3A_19 : i32
    %add3A_21 = arith.addi %mul3A_18, %mul3A_20 : i32
    "tpu.region"() ({
      %run_scoped3A = tpu.sem_alloc : memref<!tpu.dma_semaphore, #tpu.memory_space<semaphore_mem>>
      %dma_start3A = tpu.memref_slice %arg5[%add3A_21] : memref<200704xf32, #tpu.memory_space<hbm>> -> memref<6272xf32, #tpu.memory_space<hbm>>
      %dma_start3A_22 = tpu.memref_slice %arg5[%add3A_21] : memref<200704xf32, #tpu.memory_space<hbm>> -> memref<6272xf32, #tpu.memory_space<hbm>>
      tpu.enqueue_dma source(%arg10 : memref<6272xf32, #tpu.memory_space<vmem>>) target(%dma_start3A_22 : memref<6272xf32, #tpu.memory_space<hbm>>) target_semaphore(%run_scoped3A : memref<!tpu.dma_semaphore, #tpu.memory_space<semaphore_mem>>)
      %dma_wait3A = tpu.memref_slice %arg5[%add3A_21] : memref<200704xf32, #tpu.memory_space<hbm>> -> memref<6272xf32, #tpu.memory_space<hbm>>
      %dma_wait3A_23 = tpu.memref_slice %arg5[%add3A_21] : memref<200704xf32, #tpu.memory_space<hbm>> -> memref<6272xf32, #tpu.memory_space<hbm>>
      tpu.wait_dma2 semaphore(%run_scoped3A : memref<!tpu.dma_semaphore, #tpu.memory_space<semaphore_mem>>) src(%arg10 : memref<6272xf32, #tpu.memory_space<vmem>>) dst(%dma_wait3A_23 : memref<6272xf32, #tpu.memory_space<hbm>>)
      tpu.yield
    }) : () -> ()
    return
  }
}

#map = affine_map<(d0, d1) -> (0)>
module attributes {stable_mosaic.version = 14 : i64} {
  func.func @_gs2_body(%arg0: i32, %arg1: i32, %arg2: memref<100000xf32, #tpu.memory_space<hbm>>, %arg3: memref<6400000xi32, #tpu.memory_space<hbm>>, %arg4: memref<6400000xi32, #tpu.memory_space<hbm>>, %arg5: memref<200704xf32, #tpu.memory_space<hbm>>, %arg6: memref<200704xf32, #tpu.memory_space<hbm>>, %arg7: memref<100000xf32, #tpu.memory_space<vmem>>, %arg8: memref<2000xi32, #tpu.memory_space<vmem>>, %arg9: memref<2000xi32, #tpu.memory_space<vmem>>, %arg10: memref<2000xf32, #tpu.memory_space<vmem>>, %arg11: memref<2000xf32, #tpu.memory_space<vmem>>, %arg12: memref<6272xf32, #tpu.memory_space<vmem>>, %arg13: memref<100352xf32, #tpu.memory_space<vmem_shared>>, %arg14: memref<100352xf32, #tpu.memory_space<vmem_shared>>) attributes {dimension_semantics = [#tpu.dimension_semantics<core_parallel>, #tpu.dimension_semantics<subcore_parallel>], iteration_bounds = array<i64: 2, 16>, scalar_prefetch = 0 : i64, scratch_operands = 8 : i64, tpu.core_type = #tpu.core_type<sc_vector_subcore>, window_params = [{transform_indices = #map}, {transform_indices = #map}, {transform_indices = #map}, {transform_indices = #map}, {transform_indices = #map}]} {
    %mul3A = arith.constant 16 : i32
    %mul3A_0 = arith.muli %arg0, %mul3A : i32
    %add3A = arith.addi %mul3A_0, %arg1 : i32
    "tpu.region"() ({
      %run_scoped3A = tpu.sem_alloc : memref<!tpu.dma_semaphore, #tpu.memory_space<semaphore_mem>>
      tpu.enqueue_dma source(%arg2 : memref<100000xf32, #tpu.memory_space<hbm>>) target(%arg7 : memref<100000xf32, #tpu.memory_space<vmem>>) target_semaphore(%run_scoped3A : memref<!tpu.dma_semaphore, #tpu.memory_space<semaphore_mem>>)
      tpu.wait_dma2 semaphore(%run_scoped3A : memref<!tpu.dma_semaphore, #tpu.memory_space<semaphore_mem>>) src(%arg2 : memref<100000xf32, #tpu.memory_space<hbm>>) dst(%arg7 : memref<100000xf32, #tpu.memory_space<vmem>>)
      tpu.yield
    }) : () -> ()
    %scan3A = arith.constant 0 : i32
    %scan3A_1 = arith.constant 0 : i32
    %scan3A_2 = arith.constant 392 : i32
    %scan3A_3 = arith.addi %scan3A_1, %scan3A_2 : i32
    %scan3A_4 = arith.constant 1 : i32
    scf.for %scan3A_31 = %scan3A_1 to %scan3A_3 step %scan3A_4  : i32 {
      %broadcast_in_dim3A = arith.constant 0.000000e+00 : f32
      %broadcast_in_dim3A_32 = vector.broadcast %broadcast_in_dim3A : f32 to vector<16xf32>
      %mul3A_33 = arith.constant 16 : i32
      %mul3A_34 = arith.muli %scan3A_31, %mul3A_33 : i32
      %swap3A = arith.index_cast %mul3A_34 : i32 to index
      %swap3A_35 = tpu.vector_load %arg12[%swap3A] {strides = array<i32>} : memref<6272xf32, #tpu.memory_space<vmem>>, vector<16xf32>,
      tpu.vector_store %arg12[%swap3A], %broadcast_in_dim3A_32 {strides = array<i32>} : memref<6272xf32, #tpu.memory_space<vmem>>, vector<16xf32>,
    }
    %scan3A_5 = arith.constant 392 : i32
    %mul3A_6 = arith.constant 6272 : i32
    %mul3A_7 = arith.muli %arg1, %mul3A_6 : i32
    "tpu.region"() ({
      %run_scoped3A = tpu.sem_alloc : memref<!tpu.dma_semaphore, #tpu.memory_space<semaphore_mem>>
      %dma_start3A = tpu.memref_slice %arg13[%mul3A_7] : memref<100352xf32, #tpu.memory_space<vmem_shared>> -> memref<6272xf32, #tpu.memory_space<vmem_shared>>
      %dma_start3A_31 = tpu.memref_slice %arg13[%mul3A_7] : memref<100352xf32, #tpu.memory_space<vmem_shared>> -> memref<6272xf32, #tpu.memory_space<vmem_shared>>
      tpu.enqueue_dma source(%arg12 : memref<6272xf32, #tpu.memory_space<vmem>>) target(%dma_start3A_31 : memref<6272xf32, #tpu.memory_space<vmem_shared>>) target_semaphore(%run_scoped3A : memref<!tpu.dma_semaphore, #tpu.memory_space<semaphore_mem>>)
      %dma_wait3A = tpu.memref_slice %arg13[%mul3A_7] : memref<100352xf32, #tpu.memory_space<vmem_shared>> -> memref<6272xf32, #tpu.memory_space<vmem_shared>>
      %dma_wait3A_32 = tpu.memref_slice %arg13[%mul3A_7] : memref<100352xf32, #tpu.memory_space<vmem_shared>> -> memref<6272xf32, #tpu.memory_space<vmem_shared>>
      tpu.wait_dma2 semaphore(%run_scoped3A : memref<!tpu.dma_semaphore, #tpu.memory_space<semaphore_mem>>) src(%arg12 : memref<6272xf32, #tpu.memory_space<vmem>>) dst(%dma_wait3A_32 : memref<6272xf32, #tpu.memory_space<vmem_shared>>)
      tpu.yield
    }) : () -> ()
    %mul3A_8 = arith.constant 6272 : i32
    %mul3A_9 = arith.muli %arg1, %mul3A_8 : i32
    "tpu.region"() ({
      %run_scoped3A = tpu.sem_alloc : memref<!tpu.dma_semaphore, #tpu.memory_space<semaphore_mem>>
      %dma_start3A = tpu.memref_slice %arg14[%mul3A_9] : memref<100352xf32, #tpu.memory_space<vmem_shared>> -> memref<6272xf32, #tpu.memory_space<vmem_shared>>
      %dma_start3A_31 = tpu.memref_slice %arg14[%mul3A_9] : memref<100352xf32, #tpu.memory_space<vmem_shared>> -> memref<6272xf32, #tpu.memory_space<vmem_shared>>
      tpu.enqueue_dma source(%arg12 : memref<6272xf32, #tpu.memory_space<vmem>>) target(%dma_start3A_31 : memref<6272xf32, #tpu.memory_space<vmem_shared>>) target_semaphore(%run_scoped3A : memref<!tpu.dma_semaphore, #tpu.memory_space<semaphore_mem>>)
      %dma_wait3A = tpu.memref_slice %arg14[%mul3A_9] : memref<100352xf32, #tpu.memory_space<vmem_shared>> -> memref<6272xf32, #tpu.memory_space<vmem_shared>>
      %dma_wait3A_32 = tpu.memref_slice %arg14[%mul3A_9] : memref<100352xf32, #tpu.memory_space<vmem_shared>> -> memref<6272xf32, #tpu.memory_space<vmem_shared>>
      tpu.wait_dma2 semaphore(%run_scoped3A : memref<!tpu.dma_semaphore, #tpu.memory_space<semaphore_mem>>) src(%arg12 : memref<6272xf32, #tpu.memory_space<vmem>>) dst(%dma_wait3A_32 : memref<6272xf32, #tpu.memory_space<vmem_shared>>)
      tpu.yield
    }) : () -> ()
    %barrier3A = arith.constant 0 : index
    tpu.barrier barrier_id(%barrier3A)
    %scan3A_10 = arith.constant 0 : i32
    %scan3A_11 = arith.constant 0 : i32
    %scan3A_12 = arith.constant 100 : i32
    %scan3A_13 = arith.addi %scan3A_11, %scan3A_12 : i32
    %scan3A_14 = arith.constant 1 : i32
    scf.for %scan3A_31 = %scan3A_11 to %scan3A_13 step %scan3A_14  : i32 {
      %mul3A_32 = arith.constant 200000 : i32
      %mul3A_33 = arith.muli %add3A, %mul3A_32 : i32
      %mul3A_34 = arith.constant 2000 : i32
      %mul3A_35 = arith.muli %scan3A_31, %mul3A_34 : i32
      %add3A_36 = arith.addi %mul3A_33, %mul3A_35 : i32
      "tpu.region"() ({
        %run_scoped3A = tpu.sem_alloc : memref<!tpu.dma_semaphore, #tpu.memory_space<semaphore_mem>>
        %dma_start3A = tpu.memref_slice %arg3[%add3A_36] : memref<6400000xi32, #tpu.memory_space<hbm>> -> memref<2000xi32, #tpu.memory_space<hbm>>
        %dma_start3A_43 = tpu.memref_slice %arg3[%add3A_36] : memref<6400000xi32, #tpu.memory_space<hbm>> -> memref<2000xi32, #tpu.memory_space<hbm>>
        tpu.enqueue_dma source(%dma_start3A_43 : memref<2000xi32, #tpu.memory_space<hbm>>) target(%arg8 : memref<2000xi32, #tpu.memory_space<vmem>>) target_semaphore(%run_scoped3A : memref<!tpu.dma_semaphore, #tpu.memory_space<semaphore_mem>>)
        %dma_wait3A = tpu.memref_slice %arg3[%add3A_36] : memref<6400000xi32, #tpu.memory_space<hbm>> -> memref<2000xi32, #tpu.memory_space<hbm>>
        %dma_wait3A_44 = tpu.memref_slice %arg3[%add3A_36] : memref<6400000xi32, #tpu.memory_space<hbm>> -> memref<2000xi32, #tpu.memory_space<hbm>>
        tpu.wait_dma2 semaphore(%run_scoped3A : memref<!tpu.dma_semaphore, #tpu.memory_space<semaphore_mem>>) src(%dma_wait3A_44 : memref<2000xi32, #tpu.memory_space<hbm>>) dst(%arg8 : memref<2000xi32, #tpu.memory_space<vmem>>)
        tpu.yield
      }) : () -> ()
      "tpu.region"() ({
        %run_scoped3A = tpu.sem_alloc : memref<!tpu.dma_semaphore, #tpu.memory_space<semaphore_mem>>
        %dma_start3A = tpu.memref_slice %arg4[%add3A_36] : memref<6400000xi32, #tpu.memory_space<hbm>> -> memref<2000xi32, #tpu.memory_space<hbm>>
        %dma_start3A_43 = tpu.memref_slice %arg4[%add3A_36] : memref<6400000xi32, #tpu.memory_space<hbm>> -> memref<2000xi32, #tpu.memory_space<hbm>>
        tpu.enqueue_dma source(%dma_start3A_43 : memref<2000xi32, #tpu.memory_space<hbm>>) target(%arg9 : memref<2000xi32, #tpu.memory_space<vmem>>) target_semaphore(%run_scoped3A : memref<!tpu.dma_semaphore, #tpu.memory_space<semaphore_mem>>)
        %dma_wait3A = tpu.memref_slice %arg4[%add3A_36] : memref<6400000xi32, #tpu.memory_space<hbm>> -> memref<2000xi32, #tpu.memory_space<hbm>>
        %dma_wait3A_44 = tpu.memref_slice %arg4[%add3A_36] : memref<6400000xi32, #tpu.memory_space<hbm>> -> memref<2000xi32, #tpu.memory_space<hbm>>
        tpu.wait_dma2 semaphore(%run_scoped3A : memref<!tpu.dma_semaphore, #tpu.memory_space<semaphore_mem>>) src(%dma_wait3A_44 : memref<2000xi32, #tpu.memory_space<hbm>>) dst(%arg9 : memref<2000xi32, #tpu.memory_space<vmem>>)
        tpu.yield
      }) : () -> ()
      %scan3A_37 = arith.constant 0 : i32
      %scan3A_38 = arith.constant 0 : i32
      %scan3A_39 = arith.constant 125 : i32
      %scan3A_40 = arith.addi %scan3A_38, %scan3A_39 : i32
      %scan3A_41 = arith.constant 1 : i32
      scf.for %scan3A_43 = %scan3A_38 to %scan3A_40 step %scan3A_41  : i32 {
        %mul3A_44 = arith.constant 16 : i32
        %mul3A_45 = arith.muli %scan3A_43, %mul3A_44 : i32
        %get3A = arith.index_cast %mul3A_45 : i32 to index
        %get3A_46 = tpu.vector_load %arg8[%get3A] {strides = array<i32>} : memref<2000xi32, #tpu.memory_space<vmem>>, vector<16xi32>,
        %mul3A_47 = arith.constant 16 : i32
        %mul3A_48 = arith.muli %scan3A_43, %mul3A_47 : i32
        %get3A_49 = arith.index_cast %mul3A_48 : i32 to index
        %get3A_50 = tpu.vector_load %arg9[%get3A_49] {strides = array<i32>} : memref<2000xi32, #tpu.memory_space<vmem>>, vector<16xi32>,
        %gather3A = tpu.vector_load_idx %arg7[%get3A_46] : memref<100000xf32, #tpu.memory_space<vmem>>[vector<16xi32>], vector<16xf32>,
        %mul3A_51 = arith.constant 16 : i32
        %mul3A_52 = arith.muli %scan3A_43, %mul3A_51 : i32
        %swap3A = arith.index_cast %mul3A_52 : i32 to index
        %swap3A_53 = tpu.vector_load %arg10[%swap3A] {strides = array<i32>} : memref<2000xf32, #tpu.memory_space<vmem>>, vector<16xf32>,
        tpu.vector_store %arg10[%swap3A], %gather3A {strides = array<i32>} : memref<2000xf32, #tpu.memory_space<vmem>>, vector<16xf32>,
        %gather3A_54 = tpu.vector_load_idx %arg7[%get3A_50] : memref<100000xf32, #tpu.memory_space<vmem>>[vector<16xi32>], vector<16xf32>,
        %mul3A_55 = arith.constant 16 : i32
        %mul3A_56 = arith.muli %scan3A_43, %mul3A_55 : i32
        %swap3A_57 = arith.index_cast %mul3A_56 : i32 to index
        %swap3A_58 = tpu.vector_load %arg11[%swap3A_57] {strides = array<i32>} : memref<2000xf32, #tpu.memory_space<vmem>>, vector<16xf32>,
        tpu.vector_store %arg11[%swap3A_57], %gather3A_54 {strides = array<i32>} : memref<2000xf32, #tpu.memory_space<vmem>>, vector<16xf32>,
      }
      %scan3A_42 = arith.constant 125 : i32
      "tpu.region"() ({
        %run_scoped3A = tpu.sem_alloc : memref<!tpu.dma_semaphore, #tpu.memory_space<semaphore_mem>>
        %dma_start3A = arith.constant 0 : i32
        %dma_start3A_43 = tpu.memref_slice %arg13[%dma_start3A] : memref<100352xf32, #tpu.memory_space<vmem_shared>> -> memref<100352xf32, #tpu.memory_space<vmem_shared>>
        tpu.enqueue_indirect_dma source(%arg10 : memref<2000xf32, #tpu.memory_space<vmem>>) target(%dma_start3A_43 : memref<100352xf32, #tpu.memory_space<vmem_shared>>) offsets(%arg9 : memref<2000xi32, #tpu.memory_space<vmem>>) semaphore(%run_scoped3A : memref<!tpu.dma_semaphore, #tpu.memory_space<semaphore_mem>>) {add = true}
        %dma_wait3A = arith.constant 0 : i32
        %dma_wait3A_44 = tpu.memref_slice %arg13[%dma_wait3A] : memref<100352xf32, #tpu.memory_space<vmem_shared>> -> memref<100352xf32, #tpu.memory_space<vmem_shared>>
        tpu.wait_indirect_dma semaphore(%run_scoped3A : memref<!tpu.dma_semaphore, #tpu.memory_space<semaphore_mem>>) src(%arg10 : memref<2000xf32, #tpu.memory_space<vmem>>) dst(%dma_wait3A_44 : memref<100352xf32, #tpu.memory_space<vmem_shared>>)
        tpu.yield
      }) : () -> ()
      "tpu.region"() ({
        %run_scoped3A = tpu.sem_alloc : memref<!tpu.dma_semaphore, #tpu.memory_space<semaphore_mem>>
        %dma_start3A = arith.constant 0 : i32
        %dma_start3A_43 = tpu.memref_slice %arg14[%dma_start3A] : memref<100352xf32, #tpu.memory_space<vmem_shared>> -> memref<100352xf32, #tpu.memory_space<vmem_shared>>
        tpu.enqueue_indirect_dma source(%arg11 : memref<2000xf32, #tpu.memory_space<vmem>>) target(%dma_start3A_43 : memref<100352xf32, #tpu.memory_space<vmem_shared>>) offsets(%arg8 : memref<2000xi32, #tpu.memory_space<vmem>>) semaphore(%run_scoped3A : memref<!tpu.dma_semaphore, #tpu.memory_space<semaphore_mem>>) {add = true}
        %dma_wait3A = arith.constant 0 : i32
        %dma_wait3A_44 = tpu.memref_slice %arg14[%dma_wait3A] : memref<100352xf32, #tpu.memory_space<vmem_shared>> -> memref<100352xf32, #tpu.memory_space<vmem_shared>>
        tpu.wait_indirect_dma semaphore(%run_scoped3A : memref<!tpu.dma_semaphore, #tpu.memory_space<semaphore_mem>>) src(%arg11 : memref<2000xf32, #tpu.memory_space<vmem>>) dst(%dma_wait3A_44 : memref<100352xf32, #tpu.memory_space<vmem_shared>>)
        tpu.yield
      }) : () -> ()
    }
    %scan3A_15 = arith.constant 100 : i32
    %barrier3A_16 = arith.constant 0 : index
    tpu.barrier barrier_id(%barrier3A_16)
    %mul3A_17 = arith.constant 6272 : i32
    %mul3A_18 = arith.muli %arg1, %mul3A_17 : i32
    "tpu.region"() ({
      %run_scoped3A = tpu.sem_alloc : memref<!tpu.dma_semaphore, #tpu.memory_space<semaphore_mem>>
      %dma_start3A = tpu.memref_slice %arg13[%mul3A_18] : memref<100352xf32, #tpu.memory_space<vmem_shared>> -> memref<6272xf32, #tpu.memory_space<vmem_shared>>
      %dma_start3A_31 = tpu.memref_slice %arg13[%mul3A_18] : memref<100352xf32, #tpu.memory_space<vmem_shared>> -> memref<6272xf32, #tpu.memory_space<vmem_shared>>
      tpu.enqueue_dma source(%dma_start3A_31 : memref<6272xf32, #tpu.memory_space<vmem_shared>>) target(%arg12 : memref<6272xf32, #tpu.memory_space<vmem>>) target_semaphore(%run_scoped3A : memref<!tpu.dma_semaphore, #tpu.memory_space<semaphore_mem>>)
      %dma_wait3A = tpu.memref_slice %arg13[%mul3A_18] : memref<100352xf32, #tpu.memory_space<vmem_shared>> -> memref<6272xf32, #tpu.memory_space<vmem_shared>>
      %dma_wait3A_32 = tpu.memref_slice %arg13[%mul3A_18] : memref<100352xf32, #tpu.memory_space<vmem_shared>> -> memref<6272xf32, #tpu.memory_space<vmem_shared>>
      tpu.wait_dma2 semaphore(%run_scoped3A : memref<!tpu.dma_semaphore, #tpu.memory_space<semaphore_mem>>) src(%dma_wait3A_32 : memref<6272xf32, #tpu.memory_space<vmem_shared>>) dst(%arg12 : memref<6272xf32, #tpu.memory_space<vmem>>)
      tpu.yield
    }) : () -> ()
    %mul3A_19 = arith.constant 100352 : i32
    %mul3A_20 = arith.muli %arg0, %mul3A_19 : i32
    %mul3A_21 = arith.constant 6272 : i32
    %mul3A_22 = arith.muli %arg1, %mul3A_21 : i32
    %add3A_23 = arith.addi %mul3A_20, %mul3A_22 : i32
    "tpu.region"() ({
      %run_scoped3A = tpu.sem_alloc : memref<!tpu.dma_semaphore, #tpu.memory_space<semaphore_mem>>
      %dma_start3A = tpu.memref_slice %arg5[%add3A_23] : memref<200704xf32, #tpu.memory_space<hbm>> -> memref<6272xf32, #tpu.memory_space<hbm>>
      %dma_start3A_31 = tpu.memref_slice %arg5[%add3A_23] : memref<200704xf32, #tpu.memory_space<hbm>> -> memref<6272xf32, #tpu.memory_space<hbm>>
      tpu.enqueue_dma source(%arg12 : memref<6272xf32, #tpu.memory_space<vmem>>) target(%dma_start3A_31 : memref<6272xf32, #tpu.memory_space<hbm>>) target_semaphore(%run_scoped3A : memref<!tpu.dma_semaphore, #tpu.memory_space<semaphore_mem>>)
      %dma_wait3A = tpu.memref_slice %arg5[%add3A_23] : memref<200704xf32, #tpu.memory_space<hbm>> -> memref<6272xf32, #tpu.memory_space<hbm>>
      %dma_wait3A_32 = tpu.memref_slice %arg5[%add3A_23] : memref<200704xf32, #tpu.memory_space<hbm>> -> memref<6272xf32, #tpu.memory_space<hbm>>
      tpu.wait_dma2 semaphore(%run_scoped3A : memref<!tpu.dma_semaphore, #tpu.memory_space<semaphore_mem>>) src(%arg12 : memref<6272xf32, #tpu.memory_space<vmem>>) dst(%dma_wait3A_32 : memref<6272xf32, #tpu.memory_space<hbm>>)
      tpu.yield
    }) : () -> ()
    %mul3A_24 = arith.constant 6272 : i32
    %mul3A_25 = arith.muli %arg1, %mul3A_24 : i32
    "tpu.region"() ({
      %run_scoped3A = tpu.sem_alloc : memref<!tpu.dma_semaphore, #tpu.memory_space<semaphore_mem>>
      %dma_start3A = tpu.memref_slice %arg14[%mul3A_25] : memref<100352xf32, #tpu.memory_space<vmem_shared>> -> memref<6272xf32, #tpu.memory_space<vmem_shared>>
      %dma_start3A_31 = tpu.memref_slice %arg14[%mul3A_25] : memref<100352xf32, #tpu.memory_space<vmem_shared>> -> memref<6272xf32, #tpu.memory_space<vmem_shared>>
      tpu.enqueue_dma source(%dma_start3A_31 : memref<6272xf32, #tpu.memory_space<vmem_shared>>) target(%arg12 : memref<6272xf32, #tpu.memory_space<vmem>>) target_semaphore(%run_scoped3A : memref<!tpu.dma_semaphore, #tpu.memory_space<semaphore_mem>>)
      %dma_wait3A = tpu.memref_slice %arg14[%mul3A_25] : memref<100352xf32, #tpu.memory_space<vmem_shared>> -> memref<6272xf32, #tpu.memory_space<vmem_shared>>
      %dma_wait3A_32 = tpu.memref_slice %arg14[%mul3A_25] : memref<100352xf32, #tpu.memory_space<vmem_shared>> -> memref<6272xf32, #tpu.memory_space<vmem_shared>>
      tpu.wait_dma2 semaphore(%run_scoped3A : memref<!tpu.dma_semaphore, #tpu.memory_space<semaphore_mem>>) src(%dma_wait3A_32 : memref<6272xf32, #tpu.memory_space<vmem_shared>>) dst(%arg12 : memref<6272xf32, #tpu.memory_space<vmem>>)
      tpu.yield
    }) : () -> ()
    %mul3A_26 = arith.constant 100352 : i32
    %mul3A_27 = arith.muli %arg0, %mul3A_26 : i32
    %mul3A_28 = arith.constant 6272 : i32
    %mul3A_29 = arith.muli %arg1, %mul3A_28 : i32
    %add3A_30 = arith.addi %mul3A_27, %mul3A_29 : i32
    "tpu.region"() ({
      %run_scoped3A = tpu.sem_alloc : memref<!tpu.dma_semaphore, #tpu.memory_space<semaphore_mem>>
      %dma_start3A = tpu.memref_slice %arg6[%add3A_30] : memref<200704xf32, #tpu.memory_space<hbm>> -> memref<6272xf32, #tpu.memory_space<hbm>>
      %dma_start3A_31 = tpu.memref_slice %arg6[%add3A_30] : memref<200704xf32, #tpu.memory_space<hbm>> -> memref<6272xf32, #tpu.memory_space<hbm>>
      tpu.enqueue_dma source(%arg12 : memref<6272xf32, #tpu.memory_space<vmem>>) target(%dma_start3A_31 : memref<6272xf32, #tpu.memory_space<hbm>>) target_semaphore(%run_scoped3A : memref<!tpu.dma_semaphore, #tpu.memory_space<semaphore_mem>>)
      %dma_wait3A = tpu.memref_slice %arg6[%add3A_30] : memref<200704xf32, #tpu.memory_space<hbm>> -> memref<6272xf32, #tpu.memory_space<hbm>>
      %dma_wait3A_32 = tpu.memref_slice %arg6[%add3A_30] : memref<200704xf32, #tpu.memory_space<hbm>> -> memref<6272xf32, #tpu.memory_space<hbm>>
      tpu.wait_dma2 semaphore(%run_scoped3A : memref<!tpu.dma_semaphore, #tpu.memory_space<semaphore_mem>>) src(%arg12 : memref<6272xf32, #tpu.memory_space<vmem>>) dst(%dma_wait3A_32 : memref<6272xf32, #tpu.memory_space<hbm>>)
      tpu.yield
    }) : () -> ()
    return
  }
}

#map = affine_map<(d0, d1) -> (0)>
module attributes {stable_mosaic.version = 14 : i64} {
  func.func @_gs_body(%arg0: i32, %arg1: i32, %arg2: memref<100000xf32, #tpu.memory_space<hbm>>, %arg3: memref<6400000xi32, #tpu.memory_space<hbm>>, %arg4: memref<6400000xi32, #tpu.memory_space<hbm>>, %arg5: memref<200704xf32, #tpu.memory_space<hbm>>, %arg6: memref<100000xf32, #tpu.memory_space<vmem>>, %arg7: memref<4000xi32, #tpu.memory_space<vmem>>, %arg8: memref<4000xi32, #tpu.memory_space<vmem>>, %arg9: memref<4000xf32, #tpu.memory_space<vmem>>, %arg10: memref<6272xf32, #tpu.memory_space<vmem>>, %arg11: memref<100352xf32, #tpu.memory_space<vmem_shared>>) attributes {dimension_semantics = [#tpu.dimension_semantics<core_parallel>, #tpu.dimension_semantics<subcore_parallel>], iteration_bounds = array<i64: 2, 16>, scalar_prefetch = 0 : i64, scratch_operands = 6 : i64, tpu.core_type = #tpu.core_type<sc_vector_subcore>, window_params = [{transform_indices = #map}, {transform_indices = #map}, {transform_indices = #map}, {transform_indices = #map}]} {
    %mul3A = arith.constant 16 : i32
    %mul3A_0 = arith.muli %arg0, %mul3A : i32
    %add3A = arith.addi %mul3A_0, %arg1 : i32
    "tpu.region"() ({
      %run_scoped3A = tpu.sem_alloc : memref<!tpu.dma_semaphore, #tpu.memory_space<semaphore_mem>>
      tpu.enqueue_dma source(%arg2 : memref<100000xf32, #tpu.memory_space<hbm>>) target(%arg6 : memref<100000xf32, #tpu.memory_space<vmem>>) target_semaphore(%run_scoped3A : memref<!tpu.dma_semaphore, #tpu.memory_space<semaphore_mem>>)
      tpu.wait_dma2 semaphore(%run_scoped3A : memref<!tpu.dma_semaphore, #tpu.memory_space<semaphore_mem>>) src(%arg2 : memref<100000xf32, #tpu.memory_space<hbm>>) dst(%arg6 : memref<100000xf32, #tpu.memory_space<vmem>>)
      tpu.yield
    }) : () -> ()
    %scan3A = arith.constant 0 : i32
    %scan3A_1 = arith.constant 0 : i32
    %scan3A_2 = arith.constant 392 : i32
    %scan3A_3 = arith.addi %scan3A_1, %scan3A_2 : i32
    %scan3A_4 = arith.constant 1 : i32
    scf.for %scan3A_22 = %scan3A_1 to %scan3A_3 step %scan3A_4  : i32 {
      %broadcast_in_dim3A = arith.constant 0.000000e+00 : f32
      %broadcast_in_dim3A_23 = vector.broadcast %broadcast_in_dim3A : f32 to vector<16xf32>
      %mul3A_24 = arith.constant 16 : i32
      %mul3A_25 = arith.muli %scan3A_22, %mul3A_24 : i32
      %swap3A = arith.index_cast %mul3A_25 : i32 to index
      %swap3A_26 = tpu.vector_load %arg10[%swap3A] {strides = array<i32>} : memref<6272xf32, #tpu.memory_space<vmem>>, vector<16xf32>,
      tpu.vector_store %arg10[%swap3A], %broadcast_in_dim3A_23 {strides = array<i32>} : memref<6272xf32, #tpu.memory_space<vmem>>, vector<16xf32>,
    }
    %scan3A_5 = arith.constant 392 : i32
    %mul3A_6 = arith.constant 6272 : i32
    %mul3A_7 = arith.muli %arg1, %mul3A_6 : i32
    "tpu.region"() ({
      %run_scoped3A = tpu.sem_alloc : memref<!tpu.dma_semaphore, #tpu.memory_space<semaphore_mem>>
      %dma_start3A = tpu.memref_slice %arg11[%mul3A_7] : memref<100352xf32, #tpu.memory_space<vmem_shared>> -> memref<6272xf32, #tpu.memory_space<vmem_shared>>
      %dma_start3A_22 = tpu.memref_slice %arg11[%mul3A_7] : memref<100352xf32, #tpu.memory_space<vmem_shared>> -> memref<6272xf32, #tpu.memory_space<vmem_shared>>
      tpu.enqueue_dma source(%arg10 : memref<6272xf32, #tpu.memory_space<vmem>>) target(%dma_start3A_22 : memref<6272xf32, #tpu.memory_space<vmem_shared>>) target_semaphore(%run_scoped3A : memref<!tpu.dma_semaphore, #tpu.memory_space<semaphore_mem>>)
      %dma_wait3A = tpu.memref_slice %arg11[%mul3A_7] : memref<100352xf32, #tpu.memory_space<vmem_shared>> -> memref<6272xf32, #tpu.memory_space<vmem_shared>>
      %dma_wait3A_23 = tpu.memref_slice %arg11[%mul3A_7] : memref<100352xf32, #tpu.memory_space<vmem_shared>> -> memref<6272xf32, #tpu.memory_space<vmem_shared>>
      tpu.wait_dma2 semaphore(%run_scoped3A : memref<!tpu.dma_semaphore, #tpu.memory_space<semaphore_mem>>) src(%arg10 : memref<6272xf32, #tpu.memory_space<vmem>>) dst(%dma_wait3A_23 : memref<6272xf32, #tpu.memory_space<vmem_shared>>)
      tpu.yield
    }) : () -> ()
    %barrier3A = arith.constant 0 : index
    tpu.barrier barrier_id(%barrier3A)
    %scan3A_8 = arith.constant 0 : i32
    %scan3A_9 = arith.constant 0 : i32
    %scan3A_10 = arith.constant 50 : i32
    %scan3A_11 = arith.addi %scan3A_9, %scan3A_10 : i32
    %scan3A_12 = arith.constant 1 : i32
    scf.for %scan3A_22 = %scan3A_9 to %scan3A_11 step %scan3A_12  : i32 {
      %mul3A_23 = arith.constant 200000 : i32
      %mul3A_24 = arith.muli %add3A, %mul3A_23 : i32
      %mul3A_25 = arith.constant 4000 : i32
      %mul3A_26 = arith.muli %scan3A_22, %mul3A_25 : i32
      %add3A_27 = arith.addi %mul3A_24, %mul3A_26 : i32
      "tpu.region"() ({
        %run_scoped3A = tpu.sem_alloc : memref<!tpu.dma_semaphore, #tpu.memory_space<semaphore_mem>>
        %dma_start3A = tpu.memref_slice %arg3[%add3A_27] : memref<6400000xi32, #tpu.memory_space<hbm>> -> memref<4000xi32, #tpu.memory_space<hbm>>
        %dma_start3A_34 = tpu.memref_slice %arg3[%add3A_27] : memref<6400000xi32, #tpu.memory_space<hbm>> -> memref<4000xi32, #tpu.memory_space<hbm>>
        tpu.enqueue_dma source(%dma_start3A_34 : memref<4000xi32, #tpu.memory_space<hbm>>) target(%arg7 : memref<4000xi32, #tpu.memory_space<vmem>>) target_semaphore(%run_scoped3A : memref<!tpu.dma_semaphore, #tpu.memory_space<semaphore_mem>>)
        %dma_wait3A = tpu.memref_slice %arg3[%add3A_27] : memref<6400000xi32, #tpu.memory_space<hbm>> -> memref<4000xi32, #tpu.memory_space<hbm>>
        %dma_wait3A_35 = tpu.memref_slice %arg3[%add3A_27] : memref<6400000xi32, #tpu.memory_space<hbm>> -> memref<4000xi32, #tpu.memory_space<hbm>>
        tpu.wait_dma2 semaphore(%run_scoped3A : memref<!tpu.dma_semaphore, #tpu.memory_space<semaphore_mem>>) src(%dma_wait3A_35 : memref<4000xi32, #tpu.memory_space<hbm>>) dst(%arg7 : memref<4000xi32, #tpu.memory_space<vmem>>)
        tpu.yield
      }) : () -> ()
      "tpu.region"() ({
        %run_scoped3A = tpu.sem_alloc : memref<!tpu.dma_semaphore, #tpu.memory_space<semaphore_mem>>
        %dma_start3A = tpu.memref_slice %arg4[%add3A_27] : memref<6400000xi32, #tpu.memory_space<hbm>> -> memref<4000xi32, #tpu.memory_space<hbm>>
        %dma_start3A_34 = tpu.memref_slice %arg4[%add3A_27] : memref<6400000xi32, #tpu.memory_space<hbm>> -> memref<4000xi32, #tpu.memory_space<hbm>>
        tpu.enqueue_dma source(%dma_start3A_34 : memref<4000xi32, #tpu.memory_space<hbm>>) target(%arg8 : memref<4000xi32, #tpu.memory_space<vmem>>) target_semaphore(%run_scoped3A : memref<!tpu.dma_semaphore, #tpu.memory_space<semaphore_mem>>)
        %dma_wait3A = tpu.memref_slice %arg4[%add3A_27] : memref<6400000xi32, #tpu.memory_space<hbm>> -> memref<4000xi32, #tpu.memory_space<hbm>>
        %dma_wait3A_35 = tpu.memref_slice %arg4[%add3A_27] : memref<6400000xi32, #tpu.memory_space<hbm>> -> memref<4000xi32, #tpu.memory_space<hbm>>
        tpu.wait_dma2 semaphore(%run_scoped3A : memref<!tpu.dma_semaphore, #tpu.memory_space<semaphore_mem>>) src(%dma_wait3A_35 : memref<4000xi32, #tpu.memory_space<hbm>>) dst(%arg8 : memref<4000xi32, #tpu.memory_space<vmem>>)
        tpu.yield
      }) : () -> ()
      %scan3A_28 = arith.constant 0 : i32
      %scan3A_29 = arith.constant 0 : i32
      %scan3A_30 = arith.constant 250 : i32
      %scan3A_31 = arith.addi %scan3A_29, %scan3A_30 : i32
      %scan3A_32 = arith.constant 1 : i32
      scf.for %scan3A_34 = %scan3A_29 to %scan3A_31 step %scan3A_32  : i32 {
        %mul3A_35 = arith.constant 16 : i32
        %mul3A_36 = arith.muli %scan3A_34, %mul3A_35 : i32
        %get3A = arith.index_cast %mul3A_36 : i32 to index
        %get3A_37 = tpu.vector_load %arg7[%get3A] {strides = array<i32>} : memref<4000xi32, #tpu.memory_space<vmem>>, vector<16xi32>,
        %gather3A = tpu.vector_load_idx %arg6[%get3A_37] : memref<100000xf32, #tpu.memory_space<vmem>>[vector<16xi32>], vector<16xf32>,
        %mul3A_38 = arith.constant 16 : i32
        %mul3A_39 = arith.muli %scan3A_34, %mul3A_38 : i32
        %swap3A = arith.index_cast %mul3A_39 : i32 to index
        %swap3A_40 = tpu.vector_load %arg9[%swap3A] {strides = array<i32>} : memref<4000xf32, #tpu.memory_space<vmem>>, vector<16xf32>,
        tpu.vector_store %arg9[%swap3A], %gather3A {strides = array<i32>} : memref<4000xf32, #tpu.memory_space<vmem>>, vector<16xf32>,
      }
      %scan3A_33 = arith.constant 250 : i32
      "tpu.region"() ({
        %run_scoped3A = tpu.sem_alloc : memref<!tpu.dma_semaphore, #tpu.memory_space<semaphore_mem>>
        %dma_start3A = arith.constant 0 : i32
        %dma_start3A_34 = tpu.memref_slice %arg11[%dma_start3A] : memref<100352xf32, #tpu.memory_space<vmem_shared>> -> memref<100352xf32, #tpu.memory_space<vmem_shared>>
        tpu.enqueue_indirect_dma source(%arg9 : memref<4000xf32, #tpu.memory_space<vmem>>) target(%dma_start3A_34 : memref<100352xf32, #tpu.memory_space<vmem_shared>>) offsets(%arg8 : memref<4000xi32, #tpu.memory_space<vmem>>) semaphore(%run_scoped3A : memref<!tpu.dma_semaphore, #tpu.memory_space<semaphore_mem>>) {add = true}
        %dma_wait3A = arith.constant 0 : i32
        %dma_wait3A_35 = tpu.memref_slice %arg11[%dma_wait3A] : memref<100352xf32, #tpu.memory_space<vmem_shared>> -> memref<100352xf32, #tpu.memory_space<vmem_shared>>
        tpu.wait_indirect_dma semaphore(%run_scoped3A : memref<!tpu.dma_semaphore, #tpu.memory_space<semaphore_mem>>) src(%arg9 : memref<4000xf32, #tpu.memory_space<vmem>>) dst(%dma_wait3A_35 : memref<100352xf32, #tpu.memory_space<vmem_shared>>)
        tpu.yield
      }) : () -> ()
    }
    %scan3A_13 = arith.constant 50 : i32
    %barrier3A_14 = arith.constant 0 : index
    tpu.barrier barrier_id(%barrier3A_14)
    %mul3A_15 = arith.constant 6272 : i32
    %mul3A_16 = arith.muli %arg1, %mul3A_15 : i32
    "tpu.region"() ({
      %run_scoped3A = tpu.sem_alloc : memref<!tpu.dma_semaphore, #tpu.memory_space<semaphore_mem>>
      %dma_start3A = tpu.memref_slice %arg11[%mul3A_16] : memref<100352xf32, #tpu.memory_space<vmem_shared>> -> memref<6272xf32, #tpu.memory_space<vmem_shared>>
      %dma_start3A_22 = tpu.memref_slice %arg11[%mul3A_16] : memref<100352xf32, #tpu.memory_space<vmem_shared>> -> memref<6272xf32, #tpu.memory_space<vmem_shared>>
      tpu.enqueue_dma source(%dma_start3A_22 : memref<6272xf32, #tpu.memory_space<vmem_shared>>) target(%arg10 : memref<6272xf32, #tpu.memory_space<vmem>>) target_semaphore(%run_scoped3A : memref<!tpu.dma_semaphore, #tpu.memory_space<semaphore_mem>>)
      %dma_wait3A = tpu.memref_slice %arg11[%mul3A_16] : memref<100352xf32, #tpu.memory_space<vmem_shared>> -> memref<6272xf32, #tpu.memory_space<vmem_shared>>
      %dma_wait3A_23 = tpu.memref_slice %arg11[%mul3A_16] : memref<100352xf32, #tpu.memory_space<vmem_shared>> -> memref<6272xf32, #tpu.memory_space<vmem_shared>>
      tpu.wait_dma2 semaphore(%run_scoped3A : memref<!tpu.dma_semaphore, #tpu.memory_space<semaphore_mem>>) src(%dma_wait3A_23 : memref<6272xf32, #tpu.memory_space<vmem_shared>>) dst(%arg10 : memref<6272xf32, #tpu.memory_space<vmem>>)
      tpu.yield
    }) : () -> ()
    %mul3A_17 = arith.constant 100352 : i32
    %mul3A_18 = arith.muli %arg0, %mul3A_17 : i32
    %mul3A_19 = arith.constant 6272 : i32
    %mul3A_20 = arith.muli %arg1, %mul3A_19 : i32
    %add3A_21 = arith.addi %mul3A_18, %mul3A_20 : i32
    "tpu.region"() ({
      %run_scoped3A = tpu.sem_alloc : memref<!tpu.dma_semaphore, #tpu.memory_space<semaphore_mem>>
      %dma_start3A = tpu.memref_slice %arg5[%add3A_21] : memref<200704xf32, #tpu.memory_space<hbm>> -> memref<6272xf32, #tpu.memory_space<hbm>>
      %dma_start3A_22 = tpu.memref_slice %arg5[%add3A_21] : memref<200704xf32, #tpu.memory_space<hbm>> -> memref<6272xf32, #tpu.memory_space<hbm>>
      tpu.enqueue_dma source(%arg10 : memref<6272xf32, #tpu.memory_space<vmem>>) target(%dma_start3A_22 : memref<6272xf32, #tpu.memory_space<hbm>>) target_semaphore(%run_scoped3A : memref<!tpu.dma_semaphore, #tpu.memory_space<semaphore_mem>>)
      %dma_wait3A = tpu.memref_slice %arg5[%add3A_21] : memref<200704xf32, #tpu.memory_space<hbm>> -> memref<6272xf32, #tpu.memory_space<hbm>>
      %dma_wait3A_23 = tpu.memref_slice %arg5[%add3A_21] : memref<200704xf32, #tpu.memory_space<hbm>> -> memref<6272xf32, #tpu.memory_space<hbm>>
      tpu.wait_dma2 semaphore(%run_scoped3A : memref<!tpu.dma_semaphore, #tpu.memory_space<semaphore_mem>>) src(%arg10 : memref<6272xf32, #tpu.memory_space<vmem>>) dst(%dma_wait3A_23 : memref<6272xf32, #tpu.memory_space<hbm>>)
      tpu.yield
    }) : () -> ()
    return
  }
}

</mosaic_0001>

<sc_bundles>
// kernel: kernel.11.cloned.1.call-start
scs
__scs_entry_jumppad:
0x0: {  	(pc) =	sbr.rel $0x88, $3  }
0x1: {  	(tag) =	ssettag $0x0;
	lr =	simm.s32 $0x1  }
0x2: {  	[smem:$0x3F9F] =	sst lr;
	_ =	strace $0xD0000000  }
0x3: {  	_ = 	snop  }
0x4: {  	_ = 	snop  }
0x5: {  	_ = 	snop  }
0x6: {  	_ = 	snop  }
0x7: {  	_ = 	snop  }
__scs_overlays_trampoline_lowered:
0x8: {  	[smem:$0x3FAE] =	sst s0  }
0x9: {  	[smem:$0x3FAF] =	sst s1  }
0xa: {  	[smem:$0x3FB0] =	sst s2  }
0xb: {  	[smem:$0x3FB1] =	sst s3  }
0xc: {  	[smem:$0x3FB2] =	sst s4  }
0xd: {  	[smem:$0x3FB3] =	sst s5  }
0xe: {  	[smem:$0x3FB4] =	sst s6  }
0xf: {  	[smem:$0x3FB5] =	sst s7  }
0x10: {  	[smem:$0x3FB6] =	sst s8  }
0x11: {  	[smem:$0x3FB7] =	sst s9;
	s0 =	simm.s32 @!p0 $0x0  }
0x12: {  	s1 =	sld [smem:$0x3F9D];
	s0 =	simm.s32 @p0 $0x1  }
0x13: {  	[smem:$0x3FB8] =	sst s0;
	s0 =	simm.s32 @!p1 $0x0  }
0x14: {  	s2 =	sld [smem:$0x3F9C];
	s0 =	simm.s32 @p1 $0x1  }
0x15: {  	[smem:$0x3FB9] =	sst s0;
	s0 =	simm.s32 @!p2 $0x0  }
0x16: {  	s3 =	sld [smem:$0x3FDB];
	s0 =	simm.s32 @p2 $0x1  }
0x17: {  	s4 =	simm.s32 $0x1BF5;
	[smem:$0x3FBB] =	sst s0  }
0x18: {  	s0 =	sld [smem:$0x3F9E];
	_ =	swait.ge [sflag:s4], $0x0  }
0x19: {  	s7 =	sld [smem:$0x3F9F]  }
0x1a: {  	s8 =	sadd.s32 $0xFFFFE003, lr  }
0x1b: {  	s9 =	sadd.s32 $0xFFFFFEF7, lr;
	s5 =	simm.s32 $0xFFFFFFFF;
	p2 =	slt.u32 s8, $0xFFFFF086  }
0x1c: {  	p1 =	slt.u32 s9, $0xF7A;
	s5 =	simm.s32 @!p2 $0x0  }
0x1d: {  	s5 =	simm.s32 @p1 $0x1;
	p0 =	seq.s32 s7, s2  }
0x1e: {  	s7 =	smul.u32 @!p0 $0xF7A, s2;
	p2 =	seq.s32 @!p0 s5, $0x0  }
0x1f: {  	s9 =	smul.u32 $0xF7A, s1;
	s8 =	simm.s32 @!p0 $0x1BF5;
	p2 =	por !p2, p0  }
0x20: {  	[sflag:s8] =	ssyncset.s32 @!p0 $0xFFFFF086;
	s6 =	sadd.s32 @!p0 s3, s7;
	s7 =	simm.s32 @!p0 $0x108  }
0x21: {  	s3 =	sadd.s32 s3, s9;
	s6 =	sadd.s32 @!p0 $0x88, s6;
	s7 =	simm.s32 @p2 $0x1082  }
0x22: {  	[simem:s7], [sflag:s8] =	dma.local @!p0 [hbm:s6], $0xF7A  }
0x23: {  	s9 =	sor.u32 $0xD0000000, s2;
	s6 =	simm.s32 $0x108;
	_ =	swait.ge @!p0 [sflag:s8], $0x0  }
0x24: {  	s3 =	sadd.s32 $0x88, s3;
	s6 =	simm.s32 @!p1 $0x1082;
	[sflag:s4] =	ssyncset.s32 $0xFFFFF086  }
0x25: {  	[simem:s6], [sflag:s4] =	dma.local [hbm:s3], $0xF7A  }
0x26: {  	[smem:$0x3F9F] =	sst s1;
	(tag) =	ssettag s2;
	_ =	strace s9  }
0x27: {  	s1 =	sld [smem:$0x3FAF]  }
0x28: {  	s2 =	sld [smem:$0x3FB0]  }
0x29: {  	s4 =	sld [smem:$0x3FB2]  }
0x2a: {  	p0 =	seq.s32 s5, $0x0;
	s5 =	sld [smem:$0x3FB3]  }
0x2b: {  	s6 =	sld [smem:$0x3FB4]  }
0x2c: {  	s7 =	sld [smem:$0x3FB5]  }
0x2d: {  	s3 =	simm.s32 $0x108;
	s8 =	sld [smem:$0x3FB6]  }
0x2e: {  	s3 =	simm.s32 @!p0 $0x1082;
	s9 =	sld [smem:$0x3FB7]  }
0x2f: {  	lr =	sadd.s32 s0, s3;
	s0 =	sld [smem:$0x3FAE]  }
0x30: {  	s3 =	sld [smem:$0x3FB1]  }
0x31: {  	[smem:$0x3FBA] =	sst s10  }
0x32: {  	s10 =	sld [smem:$0x3FB8];
	_ =	sdelay $0x3  }
0x33: {  	p0 =	seq.s32 s10, $0x1;
	s10 =	sld [smem:$0x3FBA];
	_ =	sdelay $0x3  }
0x34: {  	[smem:$0x3FBA] =	sst s10  }
0x35: {  	s10 =	sld [smem:$0x3FB9];
	_ =	sdelay $0x3  }
0x36: {  	p1 =	seq.s32 s10, $0x1;
	s10 =	sld [smem:$0x3FBA];
	_ =	sdelay $0x3  }
0x37: {  	[smem:$0x3FBA] =	sst s10  }
0x38: {  	s10 =	sld [smem:$0x3FBB]  }
0x39: {  	_ = 	snop;
	(pc) =	sbr.ind lr, $3  }
0x3a: {  	_ = 	snop  }
0x3b: {  	_ = 	snop  }
0x3c: {  	p2 =	seq.s32 s10, $0x1;
	s10 =	sld [smem:$0x3FBA]  }
0x3d: {  	_ =	shalt  }
0x3e: {  	_ =	shalt  }
0x3f: {  	_ =	shalt  }
0x40: {  	_ =	shalt  }
0x41: {  	_ =	shalt  }
0x42: {  	_ =	shalt  }
0x43: {  	_ =	shalt  }
0x44: {  	_ =	shalt  }
0x45: {  	_ =	shalt  }
0x46: {  	_ =	shalt  }
0x47: {  	_ =	shalt  }
0x48: {  	_ =	shalt  }
0x49: {  	_ =	shalt  }
0x4a: {  	_ =	shalt  }
0x4b: {  	_ =	shalt  }
0x4c: {  	_ =	shalt  }
0x4d: {  	_ =	shalt  }
0x4e: {  	_ =	shalt  }
0x4f: {  	_ =	shalt  }
0x50: {  	_ =	shalt  }
0x51: {  	_ =	shalt  }
0x52: {  	_ =	shalt  }
0x53: {  	_ =	shalt  }
0x54: {  	_ =	shalt  }
0x55: {  	_ =	shalt  }
0x56: {  	_ =	shalt  }
0x57: {  	_ =	shalt  }
0x58: {  	_ =	shalt  }
0x59: {  	_ =	shalt  }
0x5a: {  	_ =	shalt  }
0x5b: {  	_ =	shalt  }
0x5c: {  	_ =	shalt  }
0x5d: {  	_ =	shalt  }
0x5e: {  	_ =	shalt  }
0x5f: {  	_ =	shalt  }
0x60: {  	_ =	shalt  }
0x61: {  	_ =	shalt  }
0x62: {  	_ =	shalt  }
0x63: {  	_ =	shalt  }
0x64: {  	_ =	shalt  }
0x65: {  	_ =	shalt  }
0x66: {  	_ =	shalt  }
0x67: {  	_ =	shalt  }
0x68: {  	_ =	shalt  }
0x69: {  	_ =	shalt  }
0x6a: {  	_ =	shalt  }
0x6b: {  	_ =	shalt  }
0x6c: {  	_ =	shalt  }
0x6d: {  	_ =	shalt  }
0x6e: {  	_ =	shalt  }
0x6f: {  	_ =	shalt  }
0x70: {  	_ =	shalt  }
0x71: {  	_ =	shalt  }
0x72: {  	_ =	shalt  }
0x73: {  	_ =	shalt  }
0x74: {  	_ =	shalt  }
0x75: {  	_ =	shalt  }
0x76: {  	_ =	shalt  }
0x77: {  	_ =	shalt  }
0x78: {  	_ =	shalt  }
0x79: {  	_ =	shalt  }
0x7a: {  	_ =	shalt  }
0x7b: {  	_ =	shalt  }
0x7c: {  	_ =	shalt  }
0x7d: {  	_ =	shalt  }
0x7e: {  	_ =	shalt  }
0x7f: {  	_ =	shalt  }
0x80: {  	_ =	shalt  }
0x81: {  	_ =	shalt  }
0x82: {  	_ =	shalt  }
0x83: {  	_ =	shalt  }
0x84: {  	_ =	shalt  }
0x85: {  	_ =	shalt  }
0x86: {  	_ =	shalt  }
0x87: {  	_ =	shalt  }
.Lfunc_end0:
.L_simem_size_0:
called_computation.2_lowered:
.L_overlay_start_0:
0x88: {  	s2 =	sld [smem:$0x3FD9]  }
0x89: {  	s3 =	sld [smem:$0x3FFE];
	_ =	sdelay $0x1  }
0x8a: {  	s1 =	srdreg.scid  }
0x8b: {  	s0 =	sand.u32 $0x1, s1  }
0x8c: {  	s14 =	sshll.u32 s0, $0xA;
	s2 =	sadd.s32 s3, s2  }
0x8d: {  	s2 =	sadd.s32 s2, s14  }
0x8e: {  	[smem:$0x3FC6] =	sst s2  }
0x8f: {  	_ = 	snop  }
0x90: {  	s2 =	sld [smem:$0x3FD0];
	_ =	sdelay $0x2  }
0x91: {  	s15 =	simm.s32 $0xA;
	s4 =	simm.s32 $0x10  }
0x92: {  	[smem:s4], [sflag:s15] =	dma.local [hbm:s2], $0x1  }
0x93: {  	_ =	swait.eq [sflag:s15], $0x1  }
0x94: {  	[sflag:s15] =	ssyncset.done $0x0  }
0x95: {  	[sflag:s15] =	ssyncadd.s32 $0xFFFFFFFF  }
0x96: {  	s16 =	sld [smem:$0x11];
	(tm) =	ssettm $0x1  }
0x97: {  	s17 =	sld [smem:$0x3FFB];
	_ =	sdelay $0x3  }
0x98: {  	_ =	strace s17  }
0x99: {  	s3 =	sld [smem:$0x3FFC];
	_ =	sdelay $0x3  }
0x9a: {  	_ =	strace s3  }
0x9b: {  	s3 =	sld [smem:$0x3FFD];
	_ =	sdelay $0x3  }
0x9c: {  	_ =	strace s3  }
0x9d: {  	_ =	strace $0x8FFFFFFF  }
0x9e: {  	s18 =	sld [smem:$0x3FDB];
	_ =	sdelay $0x1  }
0x9f: {  	s19 =	simm.s32 $_scs_section_size  }
0xa0: {  	s5 =	simm.s32 $_size__tile_overlayer_lowered;
	s6 =	simm.s32 $_tile_overlayer_lowered  }
0xa1: {  	s22 =	simm.s32 $0x1BFF;
	s21 =	sshll.u32 s6, $0x1;
	s3 =	sadd.s32 s19, s18  }
0xa2: {  	s7 =	simm.s32 $0x0;
	s20 =	sshll.u32 s5, $0x1;
	s5 =	sadd.s32 s21, s3  }
0xa3: {  	[timem:s7], [sflag:s22] =	dma.local [hbm:s5], s20  }
0xa4: {  	_ =	swait.ge [sflag:s22], s20  }
0xa5: {  	s4 =	ssub.s32 $0x0, s20;
	[sflag:s22] =	ssyncset.done $0x0  }
0xa6: {  	[sflag:s22] =	ssyncadd.s32 s4;
	_ =	sdelay $0x1  }
0xa7: {  	s23 =	simm.s32 $0x1B8B  }
0xa8: {  	_ =	swait.ge [sflag:s23], $0x1  }
0xa9: {  	[sflag:s23] =	ssyncset.done $0x0  }
0xaa: {  	s25 =	simm.s32 $0x1B8E;
	s24 =	sld [smem:$0x3FFE];
	[sflag:s23] =	ssyncadd.s32 $0xFFFFFFFF  }
0xab: {  	s26 =	simm.s32 $execute0_lowered;
	[smem:$0x3FD2] =	sst s25  }
0xac: {  	s5 =	sshll.u32 s26, $0x1;
	_ =	strace $0x8000004C;
	[dreg:$0x1] =	wrdreg $0xFFFFFFFF  }
0xad: {  	s28 =	simm.s32 $_size_execute0_lowered;
	s3 =	sadd.s32 s3, s5;
	[dreg:$0x0] =	wrdreg $0x0  }
0xae: {  	s5 =	sshll.u32 s28, $0x1;
	[dreg:$0x2] =	wrdreg s3  }
0xaf: {  	[dreg:$0x3] =	wrdreg s5  }
0xb0: {  	[dreg:$0x4] =	wrdreg $0xC0  }
0xb1: {  	_ =	task [dreg:s7], $0x5FFFF  }
0xb2: {  	[dreg:$0x1] =	wrdreg $0xFFFFFFFF  }
0xb3: {  	[dreg:$0x0] =	wrdreg $0x60  }
0xb4: {  	[dreg:$0x2] =	wrdreg s16  }
0xb5: {  	[dreg:$0x3] =	wrdreg s24  }
0xb6: {  	[dreg:$0x4] =	wrdreg $0x1CF800  }
0xb7: {  	[dreg:$0x5] =	wrdreg $0x9  }
0xb8: {  	_ =	task.clear_ibuf [dreg:s7], $0x6FFFF;
	_ =	strace $0x9000004C  }
0xb9: {  	s29 =	simm.s32 $0x9;
	_ =	strace $0x8000004E  }
0xba: {  	_ =	swait.ge [sflag:s29], $0x1  }
0xbb: {  	[sflag:s29] =	ssyncadd.s32 $0xFFFFFFFF  }
0xbc: {  	_ =	strace $0x9000004E  }
0xbd: {  	_ =	sfence  }
0xbe: {  	s30 =	sld [smem:$0x0];
	_ =	sdelay $0x2  }
0xbf: {  	s31 =	sshll.u32 s1, $0xD;
	s1 =	sshrl.u32 s1, $0x2  }
0xc0: {  	s3 =	sand.u32 $0x4000, s31;
	s1 =	sadd.s32 s1, s30  }
0xc1: {  	s0 =	sor.u32 s3, s0;
	s1 =	sshll.u32 s1, $0x11  }
0xc2: {  	s0 =	sor.u32 s1, s0  }
0xc3: {  	s0 =	sadd.s32 $0x8F2B, s0  }
0xc4: {  	[sflag:s0] =	ssyncadd.remote.s32 $0x1  }
0xc5: {  	_ =	sfence.sel $0xFFFF  }
0xc6: {  	[dreg:$0x0] =	wrdreg $0xFFFFFFFF;
	(pc) =	sbr.abs _section_cstart, $3  }
0xc7: {  	[dreg:$0x1] =	wrdreg $0xFFFFFFFF  }
0xc8: {  	_ =	task.clear_ibuf [dreg:s7], $0x2FFFF;
	_ =	strace $0x9FFFFFFF  }
0xc9: {  	(tm) =	ssettm $0x7FFFFFFF  }
tec
execute0_lowered:
.L_overlay_start_1:
0x0: {  	(tag) =	ssettag $0x1  }
0x1: {  	s1 =	rddreg [dreg:$0x0]  }
0x2: {  	s7 =	rddreg [dreg:$0x1]  }
0x3: {  	s3 =	rddreg [dreg:$0x2]  }
0x4: {  	s0 =	rddreg [dreg:$0x3]  }
0x5: {  	s5 =	srdreg.scid;
	s2 =	stileid.u32  }
0x6: {  	s4 =	simm.s32 $0x0;
	s12 =	simm.s32 $0x1B700;
	s13 =	simm.s32 $0x18700  }
0x7: {  	s14 =	simm.s32 $0x19700;
	s15 =	simm.s32 $0xFA0;
	s16 =	simm.s32 $0x1A700  }
0x8: {  	s17 =	simm.s32 $0x0;
	s8 =	sand.u32 $0x1, s5;
	s9 =	smul.u32 $0x1880, s2  }
0x9: {  	[smem:$0x7FF] =	sst s4;
	s5 =	sadd.s32 $0x1600, s7;
	s10 =	smul.u32 $0x18800, s8  }
0xa: {  	s6 =	sadd.s32 $0xC4C00, s7;
	_ =	strace $0x8000004D;
	s11 =	ssub.s32 $0x2, s8  }
0xb: {  	s8 =	sshll.u32 s8, $0x4;
	s31 =	sshrl.u32 s11, $0x1;
	s10 =	sadd.s32 s9, s10  }
0xc: {  	s8 =	sor.u32 s2, s8;
	s11 =	ssub.s32 s11, s31;
	s10 =	sshrl.u32 s10, $0x3  }
0xd: {  	s8 =	smul.u32 $0x30D40, s8;
	s10 =	sadd.s32 s10, s7;
	s7 =	sadd.s32 s9, s3  }
0xe: {  	v0 =	vimm.f32 $0.0e+00;
	s9 =	sadd.s32 $0x188200, s10;
	s10 =	smax.u32 s11, $0x1;
	s11 =	simm.s32 $0x1  }
.LBB2_1:
0xf: {  	[tilespmem:s4], [sflag:$0x1] =	stream.linear.gather [hbm4b:s1+s4], $0x18700, $0x38;
	[tilespmem:$0x1E800] =	vst v63  }
0x10: {  	_ =	swait.ge [sflag:s11], $0x18700  }
0x11: {  	[sflag:s11] =	ssyncset.done $0x0  }
0x12: {  	s18 =	simm.s32 $0x40;
	s19 =	simm.s32 $0x0;
	[sflag:s11] =	ssyncadd.s32 $0xFFFE7900  }
.LBB2_2:
0x13: {  	p0 =	sne.s32 s18, $0x61C0;
	[tilespmem:s19+$0x1B700] =	vst v0;
	s19 =	smov.u32 s18;
	s18 =	sadd.s32 $0x40, s18  }
.Ltmp0:
0x14: {  	(pc) =	sbr.rel @p0 .LBB2_2-.Ltmp0, $2  }
0x15: {  	_ =	sdelay $0x2  }
0x16: {  	s19 =	sshra.s32 s19, $0x2  }
0x17: {  	[tilespmem:s19+$0x1B700] =	vst v0  }
0x18: {  	[spmem:s7] =	stream.linear.scatter [tilespmem:s12], [sflag:$0x1], $0x1880, $0x38;
	[tilespmem:$0x1E800] =	vst v63  }
0x19: {  	_ =	swait.ge [sflag:s11], $0x1880  }
0x1a: {  	[sflag:s11] =	ssyncset.done $0x0  }
0x1b: {  	[sflag:s11] =	ssyncadd.s32 $0xFFFFE780  }
0x1c: {  	s18 =	simm.s32 $0x0;
	s19 =	simm.s32 $0x0;
	[bflag:$0x0] =	sbarrier.arrive $0xFFFF  }
.LBB2_4:
0x1d: {  	s20 =	smul.u32 $0xFA0, s19;
	_ =	sdelay $0x1  }
0x1e: {  	s20 =	sadd.s32 s8, s20  }
0x1f: {  	s20 =	sshrl.u32 s20, $0x3  }
0x20: {  	s21 =	sadd.s32 s5, s20  }
0x21: {  	[tilespmem:s13], [sflag:$0x1] =	stream.linear.gather [hbm4b:s21+s18], $0xFA0, $0x38;
	[tilespmem:$0x1E800] =	vst v63  }
0x22: {  	_ =	swait.ge [sflag:s11], $0xFA0  }
0x23: {  	[sflag:s11] =	ssyncset.done $0x0  }
0x24: {  	s20 =	sadd.s32 s6, s20;
	[sflag:s11] =	ssyncadd.s32 $0xFFFFF060  }
0x25: {  	[tilespmem:s14], [sflag:$0x1] =	stream.linear.gather [hbm4b:s20+s18], $0xFA0, $0x38;
	[tilespmem:$0x1E800] =	vst v63  }
0x26: {  	_ =	swait.ge [sflag:s11], $0xFA0  }
0x27: {  	[sflag:s11] =	ssyncset.done $0x0  }
0x28: {  	s20 =	simm.s32 $0x0;
	[sflag:s11] =	ssyncadd.s32 $0xFFFFF060  }
0x29: {  	v1 =	vld [tilespmem:s20+$0x18700];
	_ =	sdelay $0x7  }
0x2a: {  	s22 =	simm.s32 $0x80;
	s21 =	simm.s32 $0x10;
	v1 =	vld.idx.msk [tilespmem:v1+s4+$0x0], $0xffff  }
.LBB2_5:
0x2b: {  	p0 =	sne.s32 s22, $0x3E40;
	v2 =	vld [tilespmem:s21+$0x18700];
	_ =	sdelay $0x3  }
.Ltmp1:
0x2c: {  	(pc) =	sbr.rel @p0 .LBB2_5-.Ltmp1, $2  }
0x2d: {  	[tilespmem:s20+$0x1A700] =	vst v1;
	s20 =	smov.u32 s21;
	_ =	sdelay $0x2  }
0x2e: {  	s21 =	sshra.s32 s22, $0x2;
	s22 =	sadd.s32 $0x40, s22;
	v1 =	vld.idx.msk [tilespmem:v2+s4+$0x0], $0xffff  }
0x2f: {  	v2 =	vld [tilespmem:s21+$0x18700];
	_ =	sdelay $0x6  }
0x30: {  	[tilespmem:s20+$0x1A700] =	vst v1  }
0x31: {  	v1 =	vld.idx.msk [tilespmem:v2+s4+$0x0], $0xffff;
	_ =	sdelay $0x2  }
0x32: {  	s19 =	sadd.s32 $0x1, s19  }
0x33: {  	p0 =	sne.s32 s19, $0x32  }
.Ltmp2:
0x34: {  	[tilespmem:s21+$0x1A700] =	vst v1;
	(pc) =	sbr.rel @p0 .LBB2_4-.Ltmp2, $4  }
0x35: {  	[spmem:s3] =	stream.indirect.scatter.add.f32 [tilespmem:s16], [sflag:$0x1], $0x1, s14, s15, $0xb8;
	[tilespmem:$0x1E800] =	vst v63  }
0x36: {  	_ =	swait.ge [sflag:s11], $0xFA0  }
0x37: {  	[sflag:s11] =	ssyncset.done $0x0  }
0x38: {  	[sflag:s11] =	ssyncadd.s32 $0xFFFFF060  }
0x39: {  	[bflag:$0x0] =	sbarrier.arrive $0xFFFF  }
0x3a: {  	[tilespmem:s12], [sflag:$0x1] =	stream.linear.gather [spmem:s7], $0x1880, $0x38;
	[tilespmem:$0x1E800] =	vst v63  }
0x3b: {  	s17 =	sadd.s32 $0x1, s17;
	_ =	swait.ge [sflag:s11], $0x1880  }
0x3c: {  	p0 =	sne.s32 s17, s10;
	[sflag:s11] =	ssyncset.done $0x0  }
.Ltmp3:
0x3d: {  	[sflag:s11] =	ssyncadd.s32 $0xFFFFE780;
	(pc) =	sbr.rel @p0 .LBB2_1-.Ltmp3, $4  }
0x3e: {  	[hbm4b:s9+s4] =	stream.linear.scatter [tilespmem:s12], [sflag:$0x1], $0x1880, $0x38;
	[tilespmem:$0x1E800] =	vst v63  }
0x3f: {  	_ =	swait.ge [sflag:s11], $0x1880  }
0x40: {  	[sflag:s11] =	ssyncset.done $0x0  }
0x41: {  	[sflag:s11] =	ssyncadd.s32 $0xFFFFE780  }
0x42: {  	_ =	sfence.sel $0x180000  }
0x43: {  	[bflag:$0x0] =	sbarrier.arrive $0xFFFF  }
0x44: {  	p0 =	sne.s32 s2, $0x0;
	_ =	strace $0x9000004D  }
0x45: {  	s0 =	sadd.s32 @!p0 $0x100000, s0;
	[bflag:$0x2] =	sbarrier.arrive $0xFFFF  }
0x46: {  	[sflag:s0] =	ssyncadd.tile.s32 @!p0 $0x1;
	_ =	shalt  }
.Lfunc_end2:
_tile_overlayer_lowered:
.L_overlay_start_2:
0x47: {  	(tag) =	ssettag $0x2  }
0x48: {  	s0 =	rddreg [dreg:$0x0];
	s2 =	stileid.u32  }
0x49: {  	s1 =	rddreg [dreg:$0x1];
	p0 =	sne.s32 s2, $0x0  }
0x4a: {  	s3 =	rddreg [dreg:$0x2];
	[bflag:$0x3] =	sbarrier.arrive $0xFFFF;
	s2 =	simm.s32 @!p0 $0x1C01  }
0x4b: {  	[timem:s3], [sflag:s2] =	dma.local @!p0 [hbm:s0], s1  }
0x4c: {  	s0 =	simm.s32 @!p0 $0x1  }
0x4d: {  	_ =	swait.ge @!p0 [sflag:s0], s1  }
0x4e: {  	s1 =	ssub.s32 @!p0 $0x0, s1;
	[sflag:s0] =	ssyncset.done @!p0 $0x0  }
0x4f: {  	[sflag:s0] =	ssyncadd.s32 @!p0 s1  }
0x50: {  	[bflag:$0x3] =	sbarrier.arrive $0xFFFF  }
0x51: {  	_ =	shalt  }

// kernel: kernel.5.cloned.1.call-start
scs
__scs_entry_jumppad:
0x0: {  	(pc) =	sbr.rel $0x88, $3  }
0x1: {  	(tag) =	ssettag $0x0;
	lr =	simm.s32 $0x1  }
0x2: {  	[smem:$0x3F9F] =	sst lr;
	_ =	strace $0xD0000000  }
0x3: {  	_ = 	snop  }
0x4: {  	_ = 	snop  }
0x5: {  	_ = 	snop  }
0x6: {  	_ = 	snop  }
0x7: {  	_ = 	snop  }
__scs_overlays_trampoline_lowered:
0x8: {  	[smem:$0x3FAE] =	sst s0  }
0x9: {  	[smem:$0x3FAF] =	sst s1  }
0xa: {  	[smem:$0x3FB0] =	sst s2  }
0xb: {  	[smem:$0x3FB1] =	sst s3  }
0xc: {  	[smem:$0x3FB2] =	sst s4  }
0xd: {  	[smem:$0x3FB3] =	sst s5  }
0xe: {  	[smem:$0x3FB4] =	sst s6  }
0xf: {  	[smem:$0x3FB5] =	sst s7  }
0x10: {  	[smem:$0x3FB6] =	sst s8  }
0x11: {  	[smem:$0x3FB7] =	sst s9;
	s0 =	simm.s32 @!p0 $0x0  }
0x12: {  	s1 =	sld [smem:$0x3F9D];
	s0 =	simm.s32 @p0 $0x1  }
0x13: {  	[smem:$0x3FB8] =	sst s0;
	s0 =	simm.s32 @!p1 $0x0  }
0x14: {  	s2 =	sld [smem:$0x3F9C];
	s0 =	simm.s32 @p1 $0x1  }
0x15: {  	[smem:$0x3FB9] =	sst s0;
	s0 =	simm.s32 @!p2 $0x0  }
0x16: {  	s3 =	sld [smem:$0x3FDB];
	s0 =	simm.s32 @p2 $0x1  }
0x17: {  	s4 =	simm.s32 $0x1BF5;
	[smem:$0x3FBB] =	sst s0  }
0x18: {  	s0 =	sld [smem:$0x3F9E];
	_ =	swait.ge [sflag:s4], $0x0  }
0x19: {  	s7 =	sld [smem:$0x3F9F]  }
0x1a: {  	s8 =	sadd.s32 $0xFFFFE003, lr  }
0x1b: {  	s9 =	sadd.s32 $0xFFFFFEF7, lr;
	s5 =	simm.s32 $0xFFFFFFFF;
	p2 =	slt.u32 s8, $0xFFFFF086  }
0x1c: {  	p1 =	slt.u32 s9, $0xF7A;
	s5 =	simm.s32 @!p2 $0x0  }
0x1d: {  	s5 =	simm.s32 @p1 $0x1;
	p0 =	seq.s32 s7, s2  }
0x1e: {  	s7 =	smul.u32 @!p0 $0xF7A, s2;
	p2 =	seq.s32 @!p0 s5, $0x0  }
0x1f: {  	s9 =	smul.u32 $0xF7A, s1;
	s8 =	simm.s32 @!p0 $0x1BF5;
	p2 =	por !p2, p0  }
0x20: {  	[sflag:s8] =	ssyncset.s32 @!p0 $0xFFFFF086;
	s6 =	sadd.s32 @!p0 s3, s7;
	s7 =	simm.s32 @!p0 $0x108  }
0x21: {  	s3 =	sadd.s32 s3, s9;
	s6 =	sadd.s32 @!p0 $0x88, s6;
	s7 =	simm.s32 @p2 $0x1082  }
0x22: {  	[simem:s7], [sflag:s8] =	dma.local @!p0 [hbm:s6], $0xF7A  }
0x23: {  	s9 =	sor.u32 $0xD0000000, s2;
	s6 =	simm.s32 $0x108;
	_ =	swait.ge @!p0 [sflag:s8], $0x0  }
0x24: {  	s3 =	sadd.s32 $0x88, s3;
	s6 =	simm.s32 @!p1 $0x1082;
	[sflag:s4] =	ssyncset.s32 $0xFFFFF086  }
0x25: {  	[simem:s6], [sflag:s4] =	dma.local [hbm:s3], $0xF7A  }
0x26: {  	[smem:$0x3F9F] =	sst s1;
	(tag) =	ssettag s2;
	_ =	strace s9  }
0x27: {  	s1 =	sld [smem:$0x3FAF]  }
0x28: {  	s2 =	sld [smem:$0x3FB0]  }
0x29: {  	s4 =	sld [smem:$0x3FB2]  }
0x2a: {  	p0 =	seq.s32 s5, $0x0;
	s5 =	sld [smem:$0x3FB3]  }
0x2b: {  	s6 =	sld [smem:$0x3FB4]  }
0x2c: {  	s7 =	sld [smem:$0x3FB5]  }
0x2d: {  	s3 =	simm.s32 $0x108;
	s8 =	sld [smem:$0x3FB6]  }
0x2e: {  	s3 =	simm.s32 @!p0 $0x1082;
	s9 =	sld [smem:$0x3FB7]  }
0x2f: {  	lr =	sadd.s32 s0, s3;
	s0 =	sld [smem:$0x3FAE]  }
0x30: {  	s3 =	sld [smem:$0x3FB1]  }
0x31: {  	[smem:$0x3FBA] =	sst s10  }
0x32: {  	s10 =	sld [smem:$0x3FB8];
	_ =	sdelay $0x3  }
0x33: {  	p0 =	seq.s32 s10, $0x1;
	s10 =	sld [smem:$0x3FBA];
	_ =	sdelay $0x3  }
0x34: {  	[smem:$0x3FBA] =	sst s10  }
0x35: {  	s10 =	sld [smem:$0x3FB9];
	_ =	sdelay $0x3  }
0x36: {  	p1 =	seq.s32 s10, $0x1;
	s10 =	sld [smem:$0x3FBA];
	_ =	sdelay $0x3  }
0x37: {  	[smem:$0x3FBA] =	sst s10  }
0x38: {  	s10 =	sld [smem:$0x3FBB]  }
0x39: {  	_ = 	snop;
	(pc) =	sbr.ind lr, $3  }
0x3a: {  	_ = 	snop  }
0x3b: {  	_ = 	snop  }
0x3c: {  	p2 =	seq.s32 s10, $0x1;
	s10 =	sld [smem:$0x3FBA]  }
0x3d: {  	_ =	shalt  }
0x3e: {  	_ =	shalt  }
0x3f: {  	_ =	shalt  }
0x40: {  	_ =	shalt  }
0x41: {  	_ =	shalt  }
0x42: {  	_ =	shalt  }
0x43: {  	_ =	shalt  }
0x44: {  	_ =	shalt  }
0x45: {  	_ =	shalt  }
0x46: {  	_ =	shalt  }
0x47: {  	_ =	shalt  }
0x48: {  	_ =	shalt  }
0x49: {  	_ =	shalt  }
0x4a: {  	_ =	shalt  }
0x4b: {  	_ =	shalt  }
0x4c: {  	_ =	shalt  }
0x4d: {  	_ =	shalt  }
0x4e: {  	_ =	shalt  }
0x4f: {  	_ =	shalt  }
0x50: {  	_ =	shalt  }
0x51: {  	_ =	shalt  }
0x52: {  	_ =	shalt  }
0x53: {  	_ =	shalt  }
0x54: {  	_ =	shalt  }
0x55: {  	_ =	shalt  }
0x56: {  	_ =	shalt  }
0x57: {  	_ =	shalt  }
0x58: {  	_ =	shalt  }
0x59: {  	_ =	shalt  }
0x5a: {  	_ =	shalt  }
0x5b: {  	_ =	shalt  }
0x5c: {  	_ =	shalt  }
0x5d: {  	_ =	shalt  }
0x5e: {  	_ =	shalt  }
0x5f: {  	_ =	shalt  }
0x60: {  	_ =	shalt  }
0x61: {  	_ =	shalt  }
0x62: {  	_ =	shalt  }
0x63: {  	_ =	shalt  }
0x64: {  	_ =	shalt  }
0x65: {  	_ =	shalt  }
0x66: {  	_ =	shalt  }
0x67: {  	_ =	shalt  }
0x68: {  	_ =	shalt  }
0x69: {  	_ =	shalt  }
0x6a: {  	_ =	shalt  }
0x6b: {  	_ =	shalt  }
0x6c: {  	_ =	shalt  }
0x6d: {  	_ =	shalt  }
0x6e: {  	_ =	shalt  }
0x6f: {  	_ =	shalt  }
0x70: {  	_ =	shalt  }
0x71: {  	_ =	shalt  }
0x72: {  	_ =	shalt  }
0x73: {  	_ =	shalt  }
0x74: {  	_ =	shalt  }
0x75: {  	_ =	shalt  }
0x76: {  	_ =	shalt  }
0x77: {  	_ =	shalt  }
0x78: {  	_ =	shalt  }
0x79: {  	_ =	shalt  }
0x7a: {  	_ =	shalt  }
0x7b: {  	_ =	shalt  }
0x7c: {  	_ =	shalt  }
0x7d: {  	_ =	shalt  }
0x7e: {  	_ =	shalt  }
0x7f: {  	_ =	shalt  }
0x80: {  	_ =	shalt  }
0x81: {  	_ =	shalt  }
0x82: {  	_ =	shalt  }
0x83: {  	_ =	shalt  }
0x84: {  	_ =	shalt  }
0x85: {  	_ =	shalt  }
0x86: {  	_ =	shalt  }
0x87: {  	_ =	shalt  }
.Lfunc_end0:
.L_simem_size_0:
called_computation_lowered:
.L_overlay_start_0:
0x88: {  	s2 =	sld [smem:$0x3FD9]  }
0x89: {  	s3 =	sld [smem:$0x3FFE];
	_ =	sdelay $0x1  }
0x8a: {  	s1 =	srdreg.scid  }
0x8b: {  	s0 =	sand.u32 $0x1, s1  }
0x8c: {  	s14 =	sshll.u32 s0, $0xA;
	s2 =	sadd.s32 s3, s2  }
0x8d: {  	s2 =	sadd.s32 s2, s14  }
0x8e: {  	[smem:$0x3FC6] =	sst s2  }
0x8f: {  	_ = 	snop  }
0x90: {  	s2 =	sld [smem:$0x3FD0];
	_ =	sdelay $0x2  }
0x91: {  	s15 =	simm.s32 $0xA;
	s4 =	simm.s32 $0x10  }
0x92: {  	[smem:s4], [sflag:s15] =	dma.local [hbm:s2], $0x1  }
0x93: {  	_ =	swait.eq [sflag:s15], $0x1  }
0x94: {  	[sflag:s15] =	ssyncset.done $0x0  }
0x95: {  	[sflag:s15] =	ssyncadd.s32 $0xFFFFFFFF  }
0x96: {  	s16 =	sld [smem:$0x11];
	(tm) =	ssettm $0x1  }
0x97: {  	s17 =	sld [smem:$0x3FFB];
	_ =	sdelay $0x3  }
0x98: {  	_ =	strace s17  }
0x99: {  	s3 =	sld [smem:$0x3FFC];
	_ =	sdelay $0x3  }
0x9a: {  	_ =	strace s3  }
0x9b: {  	s3 =	sld [smem:$0x3FFD];
	_ =	sdelay $0x3  }
0x9c: {  	_ =	strace s3  }
0x9d: {  	_ =	strace $0x8FFFFFFF  }
0x9e: {  	s18 =	sld [smem:$0x3FDB];
	_ =	sdelay $0x1  }
0x9f: {  	s19 =	simm.s32 $_scs_section_size  }
0xa0: {  	s5 =	simm.s32 $_size__tile_overlayer_lowered;
	s6 =	simm.s32 $_tile_overlayer_lowered  }
0xa1: {  	s22 =	simm.s32 $0x1BFF;
	s21 =	sshll.u32 s6, $0x1;
	s3 =	sadd.s32 s19, s18  }
0xa2: {  	s7 =	simm.s32 $0x0;
	s20 =	sshll.u32 s5, $0x1;
	s5 =	sadd.s32 s21, s3  }
0xa3: {  	[timem:s7], [sflag:s22] =	dma.local [hbm:s5], s20  }
0xa4: {  	_ =	swait.ge [sflag:s22], s20  }
0xa5: {  	s4 =	ssub.s32 $0x0, s20;
	[sflag:s22] =	ssyncset.done $0x0  }
0xa6: {  	[sflag:s22] =	ssyncadd.s32 s4;
	_ =	sdelay $0x1  }
0xa7: {  	s23 =	simm.s32 $0x1B8B  }
0xa8: {  	_ =	swait.ge [sflag:s23], $0x1  }
0xa9: {  	[sflag:s23] =	ssyncset.done $0x0  }
0xaa: {  	s25 =	simm.s32 $0x1B8E;
	s24 =	sld [smem:$0x3FFE];
	[sflag:s23] =	ssyncadd.s32 $0xFFFFFFFF  }
0xab: {  	s26 =	simm.s32 $execute0_lowered;
	[smem:$0x3FD2] =	sst s25  }
0xac: {  	s5 =	sshll.u32 s26, $0x1;
	_ =	strace $0x80000046;
	[dreg:$0x1] =	wrdreg $0xFFFFFFFF  }
0xad: {  	s28 =	simm.s32 $_size_execute0_lowered;
	s3 =	sadd.s32 s3, s5;
	[dreg:$0x0] =	wrdreg $0x0  }
0xae: {  	s5 =	sshll.u32 s28, $0x1;
	[dreg:$0x2] =	wrdreg s3  }
0xaf: {  	[dreg:$0x3] =	wrdreg s5  }
0xb0: {  	[dreg:$0x4] =	wrdreg $0xC0  }
0xb1: {  	_ =	task [dreg:s7], $0x5FFFF  }
0xb2: {  	[dreg:$0x1] =	wrdreg $0xFFFFFFFF  }
0xb3: {  	[dreg:$0x0] =	wrdreg $0x60  }
0xb4: {  	[dreg:$0x2] =	wrdreg s16  }
0xb5: {  	[dreg:$0x3] =	wrdreg s24  }
0xb6: {  	[dreg:$0x4] =	wrdreg $0x1CF800  }
0xb7: {  	[dreg:$0x5] =	wrdreg $0x9  }
0xb8: {  	_ =	task.clear_ibuf [dreg:s7], $0x6FFFF;
	_ =	strace $0x90000046  }
0xb9: {  	s29 =	simm.s32 $0x9;
	_ =	strace $0x80000048  }
0xba: {  	_ =	swait.ge [sflag:s29], $0x1  }
0xbb: {  	[sflag:s29] =	ssyncadd.s32 $0xFFFFFFFF  }
0xbc: {  	_ =	strace $0x90000048  }
0xbd: {  	_ =	sfence  }
0xbe: {  	s30 =	sld [smem:$0x0];
	_ =	sdelay $0x2  }
0xbf: {  	s31 =	sshll.u32 s1, $0xD;
	s1 =	sshrl.u32 s1, $0x2  }
0xc0: {  	s3 =	sand.u32 $0x4000, s31;
	s1 =	sadd.s32 s1, s30  }
0xc1: {  	s0 =	sor.u32 s3, s0;
	s1 =	sshll.u32 s1, $0x11  }
0xc2: {  	s0 =	sor.u32 s1, s0  }
0xc3: {  	s0 =	sadd.s32 $0x8F2B, s0  }
0xc4: {  	[sflag:s0] =	ssyncadd.remote.s32 $0x1  }
0xc5: {  	_ =	sfence.sel $0xFFFF  }
0xc6: {  	[dreg:$0x0] =	wrdreg $0xFFFFFFFF;
	(pc) =	sbr.abs _section_cstart, $3  }
0xc7: {  	[dreg:$0x1] =	wrdreg $0xFFFFFFFF  }
0xc8: {  	_ =	task.clear_ibuf [dreg:s7], $0x2FFFF;
	_ =	strace $0x9FFFFFFF  }
0xc9: {  	(tm) =	ssettm $0x7FFFFFFF  }
tec
execute0_lowered:
.L_overlay_start_1:
0x0: {  	(tag) =	ssettag $0x1  }
0x1: {  	s1 =	rddreg [dreg:$0x0]  }
0x2: {  	s7 =	rddreg [dreg:$0x1]  }
0x3: {  	s3 =	rddreg [dreg:$0x2]  }
0x4: {  	s0 =	rddreg [dreg:$0x3]  }
0x5: {  	s5 =	srdreg.scid;
	s2 =	stileid.u32  }
0x6: {  	s4 =	simm.s32 $0x0;
	s12 =	simm.s32 $0x1B700;
	s13 =	simm.s32 $0x18700  }
0x7: {  	s14 =	simm.s32 $0x19700;
	s15 =	simm.s32 $0xFA0;
	s16 =	simm.s32 $0x1A700  }
0x8: {  	s17 =	simm.s32 $0x0;
	s8 =	sand.u32 $0x1, s5;
	s9 =	smul.u32 $0x1880, s2  }
0x9: {  	[smem:$0x7FF] =	sst s4;
	s5 =	sadd.s32 $0xC4C00, s7;
	s10 =	smul.u32 $0x18800, s8  }
0xa: {  	s6 =	sadd.s32 $0x1600, s7;
	_ =	strace $0x80000047;
	s11 =	ssub.s32 $0x2, s8  }
0xb: {  	s8 =	sshll.u32 s8, $0x4;
	s31 =	sshrl.u32 s11, $0x1;
	s10 =	sadd.s32 s9, s10  }
0xc: {  	s8 =	sor.u32 s2, s8;
	s11 =	ssub.s32 s11, s31;
	s10 =	sshrl.u32 s10, $0x3  }
0xd: {  	s8 =	smul.u32 $0x30D40, s8;
	s10 =	sadd.s32 s10, s7;
	s7 =	sadd.s32 s9, s3  }
0xe: {  	v0 =	vimm.f32 $0.0e+00;
	s9 =	sadd.s32 $0x188200, s10;
	s10 =	smax.u32 s11, $0x1;
	s11 =	simm.s32 $0x1  }
.LBB2_1:
0xf: {  	[tilespmem:s4], [sflag:$0x1] =	stream.linear.gather [hbm4b:s1+s4], $0x18700, $0x38;
	[tilespmem:$0x1E800] =	vst v63  }
0x10: {  	_ =	swait.ge [sflag:s11], $0x18700  }
0x11: {  	[sflag:s11] =	ssyncset.done $0x0  }
0x12: {  	s18 =	simm.s32 $0x40;
	s19 =	simm.s32 $0x0;
	[sflag:s11] =	ssyncadd.s32 $0xFFFE7900  }
.LBB2_2:
0x13: {  	p0 =	sne.s32 s18, $0x61C0;
	[tilespmem:s19+$0x1B700] =	vst v0;
	s19 =	smov.u32 s18;
	s18 =	sadd.s32 $0x40, s18  }
.Ltmp0:
0x14: {  	(pc) =	sbr.rel @p0 .LBB2_2-.Ltmp0, $2  }
0x15: {  	_ =	sdelay $0x2  }
0x16: {  	s19 =	sshra.s32 s19, $0x2  }
0x17: {  	[tilespmem:s19+$0x1B700] =	vst v0  }
0x18: {  	[spmem:s7] =	stream.linear.scatter [tilespmem:s12], [sflag:$0x1], $0x1880, $0x38;
	[tilespmem:$0x1E800] =	vst v63  }
0x19: {  	_ =	swait.ge [sflag:s11], $0x1880  }
0x1a: {  	[sflag:s11] =	ssyncset.done $0x0  }
0x1b: {  	[sflag:s11] =	ssyncadd.s32 $0xFFFFE780  }
0x1c: {  	s18 =	simm.s32 $0x0;
	s19 =	simm.s32 $0x0;
	[bflag:$0x0] =	sbarrier.arrive $0xFFFF  }
.LBB2_4:
0x1d: {  	s20 =	smul.u32 $0xFA0, s19;
	_ =	sdelay $0x1  }
0x1e: {  	s20 =	sadd.s32 s8, s20  }
0x1f: {  	s20 =	sshrl.u32 s20, $0x3  }
0x20: {  	s21 =	sadd.s32 s5, s20  }
0x21: {  	[tilespmem:s13], [sflag:$0x1] =	stream.linear.gather [hbm4b:s21+s18], $0xFA0, $0x38;
	[tilespmem:$0x1E800] =	vst v63  }
0x22: {  	_ =	swait.ge [sflag:s11], $0xFA0  }
0x23: {  	[sflag:s11] =	ssyncset.done $0x0  }
0x24: {  	s20 =	sadd.s32 s6, s20;
	[sflag:s11] =	ssyncadd.s32 $0xFFFFF060  }
0x25: {  	[tilespmem:s14], [sflag:$0x1] =	stream.linear.gather [hbm4b:s20+s18], $0xFA0, $0x38;
	[tilespmem:$0x1E800] =	vst v63  }
0x26: {  	_ =	swait.ge [sflag:s11], $0xFA0  }
0x27: {  	[sflag:s11] =	ssyncset.done $0x0  }
0x28: {  	s20 =	simm.s32 $0x0;
	[sflag:s11] =	ssyncadd.s32 $0xFFFFF060  }
0x29: {  	v1 =	vld [tilespmem:s20+$0x18700];
	_ =	sdelay $0x7  }
0x2a: {  	s22 =	simm.s32 $0x80;
	s21 =	simm.s32 $0x10;
	v1 =	vld.idx.msk [tilespmem:v1+s4+$0x0], $0xffff  }
.LBB2_5:
0x2b: {  	p0 =	sne.s32 s22, $0x3E40;
	v2 =	vld [tilespmem:s21+$0x18700];
	_ =	sdelay $0x3  }
.Ltmp1:
0x2c: {  	(pc) =	sbr.rel @p0 .LBB2_5-.Ltmp1, $2  }
0x2d: {  	[tilespmem:s20+$0x1A700] =	vst v1;
	s20 =	smov.u32 s21;
	_ =	sdelay $0x2  }
0x2e: {  	s21 =	sshra.s32 s22, $0x2;
	s22 =	sadd.s32 $0x40, s22;
	v1 =	vld.idx.msk [tilespmem:v2+s4+$0x0], $0xffff  }
0x2f: {  	v2 =	vld [tilespmem:s21+$0x18700];
	_ =	sdelay $0x6  }
0x30: {  	[tilespmem:s20+$0x1A700] =	vst v1  }
0x31: {  	v1 =	vld.idx.msk [tilespmem:v2+s4+$0x0], $0xffff;
	_ =	sdelay $0x2  }
0x32: {  	s19 =	sadd.s32 $0x1, s19  }
0x33: {  	p0 =	sne.s32 s19, $0x32  }
.Ltmp2:
0x34: {  	[tilespmem:s21+$0x1A700] =	vst v1;
	(pc) =	sbr.rel @p0 .LBB2_4-.Ltmp2, $4  }
0x35: {  	[spmem:s3] =	stream.indirect.scatter.add.f32 [tilespmem:s16], [sflag:$0x1], $0x1, s14, s15, $0xb8;
	[tilespmem:$0x1E800] =	vst v63  }
0x36: {  	_ =	swait.ge [sflag:s11], $0xFA0  }
0x37: {  	[sflag:s11] =	ssyncset.done $0x0  }
0x38: {  	[sflag:s11] =	ssyncadd.s32 $0xFFFFF060  }
0x39: {  	[bflag:$0x0] =	sbarrier.arrive $0xFFFF  }
0x3a: {  	[tilespmem:s12], [sflag:$0x1] =	stream.linear.gather [spmem:s7], $0x1880, $0x38;
	[tilespmem:$0x1E800] =	vst v63  }
0x3b: {  	s17 =	sadd.s32 $0x1, s17;
	_ =	swait.ge [sflag:s11], $0x1880  }
0x3c: {  	p0 =	sne.s32 s17, s10;
	[sflag:s11] =	ssyncset.done $0x0  }
.Ltmp3:
0x3d: {  	[sflag:s11] =	ssyncadd.s32 $0xFFFFE780;
	(pc) =	sbr.rel @p0 .LBB2_1-.Ltmp3, $4  }
0x3e: {  	[hbm4b:s9+s4] =	stream.linear.scatter [tilespmem:s12], [sflag:$0x1], $0x1880, $0x38;
	[tilespmem:$0x1E800] =	vst v63  }
0x3f: {  	_ =	swait.ge [sflag:s11], $0x1880  }
0x40: {  	[sflag:s11] =	ssyncset.done $0x0  }
0x41: {  	[sflag:s11] =	ssyncadd.s32 $0xFFFFE780  }
0x42: {  	_ =	sfence.sel $0x180000  }
0x43: {  	[bflag:$0x0] =	sbarrier.arrive $0xFFFF  }
0x44: {  	p0 =	sne.s32 s2, $0x0;
	_ =	strace $0x90000047  }
0x45: {  	s0 =	sadd.s32 @!p0 $0x100000, s0;
	[bflag:$0x2] =	sbarrier.arrive $0xFFFF  }
0x46: {  	[sflag:s0] =	ssyncadd.tile.s32 @!p0 $0x1;
	_ =	shalt  }
.Lfunc_end2:
_tile_overlayer_lowered:
.L_overlay_start_2:
0x47: {  	(tag) =	ssettag $0x2  }
0x48: {  	s0 =	rddreg [dreg:$0x0];
	s2 =	stileid.u32  }
0x49: {  	s1 =	rddreg [dreg:$0x1];
	p0 =	sne.s32 s2, $0x0  }
0x4a: {  	s3 =	rddreg [dreg:$0x2];
	[bflag:$0x3] =	sbarrier.arrive $0xFFFF;
	s2 =	simm.s32 @!p0 $0x1C01  }
0x4b: {  	[timem:s3], [sflag:s2] =	dma.local @!p0 [hbm:s0], s1  }
0x4c: {  	s0 =	simm.s32 @!p0 $0x1  }
0x4d: {  	_ =	swait.ge @!p0 [sflag:s0], s1  }
0x4e: {  	s1 =	ssub.s32 @!p0 $0x0, s1;
	[sflag:s0] =	ssyncset.done @!p0 $0x0  }
0x4f: {  	[sflag:s0] =	ssyncadd.s32 @!p0 s1  }
0x50: {  	[bflag:$0x3] =	sbarrier.arrive $0xFFFF  }
0x51: {  	_ =	shalt  }

// kernel: kernel.8.cloned.1.call-start
scs
__scs_entry_jumppad:
0x0: {  	(pc) =	sbr.rel $0x88, $3  }
0x1: {  	(tag) =	ssettag $0x0;
	lr =	simm.s32 $0x1  }
0x2: {  	[smem:$0x3F9F] =	sst lr;
	_ =	strace $0xD0000000  }
0x3: {  	_ = 	snop  }
0x4: {  	_ = 	snop  }
0x5: {  	_ = 	snop  }
0x6: {  	_ = 	snop  }
0x7: {  	_ = 	snop  }
__scs_overlays_trampoline_lowered:
0x8: {  	[smem:$0x3FAE] =	sst s0  }
0x9: {  	[smem:$0x3FAF] =	sst s1  }
0xa: {  	[smem:$0x3FB0] =	sst s2  }
0xb: {  	[smem:$0x3FB1] =	sst s3  }
0xc: {  	[smem:$0x3FB2] =	sst s4  }
0xd: {  	[smem:$0x3FB3] =	sst s5  }
0xe: {  	[smem:$0x3FB4] =	sst s6  }
0xf: {  	[smem:$0x3FB5] =	sst s7  }
0x10: {  	[smem:$0x3FB6] =	sst s8  }
0x11: {  	[smem:$0x3FB7] =	sst s9;
	s0 =	simm.s32 @!p0 $0x0  }
0x12: {  	s1 =	sld [smem:$0x3F9D];
	s0 =	simm.s32 @p0 $0x1  }
0x13: {  	[smem:$0x3FB8] =	sst s0;
	s0 =	simm.s32 @!p1 $0x0  }
0x14: {  	s2 =	sld [smem:$0x3F9C];
	s0 =	simm.s32 @p1 $0x1  }
0x15: {  	[smem:$0x3FB9] =	sst s0;
	s0 =	simm.s32 @!p2 $0x0  }
0x16: {  	s3 =	sld [smem:$0x3FDB];
	s0 =	simm.s32 @p2 $0x1  }
0x17: {  	s4 =	simm.s32 $0x1BF5;
	[smem:$0x3FBB] =	sst s0  }
0x18: {  	s0 =	sld [smem:$0x3F9E];
	_ =	swait.ge [sflag:s4], $0x0  }
0x19: {  	s7 =	sld [smem:$0x3F9F]  }
0x1a: {  	s8 =	sadd.s32 $0xFFFFE003, lr  }
0x1b: {  	s9 =	sadd.s32 $0xFFFFFEF7, lr;
	s5 =	simm.s32 $0xFFFFFFFF;
	p2 =	slt.u32 s8, $0xFFFFF086  }
0x1c: {  	p1 =	slt.u32 s9, $0xF7A;
	s5 =	simm.s32 @!p2 $0x0  }
0x1d: {  	s5 =	simm.s32 @p1 $0x1;
	p0 =	seq.s32 s7, s2  }
0x1e: {  	s7 =	smul.u32 @!p0 $0xF7A, s2;
	p2 =	seq.s32 @!p0 s5, $0x0  }
0x1f: {  	s9 =	smul.u32 $0xF7A, s1;
	s8 =	simm.s32 @!p0 $0x1BF5;
	p2 =	por !p2, p0  }
0x20: {  	[sflag:s8] =	ssyncset.s32 @!p0 $0xFFFFF086;
	s6 =	sadd.s32 @!p0 s3, s7;
	s7 =	simm.s32 @!p0 $0x108  }
0x21: {  	s3 =	sadd.s32 s3, s9;
	s6 =	sadd.s32 @!p0 $0x88, s6;
	s7 =	simm.s32 @p2 $0x1082  }
0x22: {  	[simem:s7], [sflag:s8] =	dma.local @!p0 [hbm:s6], $0xF7A  }
0x23: {  	s9 =	sor.u32 $0xD0000000, s2;
	s6 =	simm.s32 $0x108;
	_ =	swait.ge @!p0 [sflag:s8], $0x0  }
0x24: {  	s3 =	sadd.s32 $0x88, s3;
	s6 =	simm.s32 @!p1 $0x1082;
	[sflag:s4] =	ssyncset.s32 $0xFFFFF086  }
0x25: {  	[simem:s6], [sflag:s4] =	dma.local [hbm:s3], $0xF7A  }
0x26: {  	[smem:$0x3F9F] =	sst s1;
	(tag) =	ssettag s2;
	_ =	strace s9  }
0x27: {  	s1 =	sld [smem:$0x3FAF]  }
0x28: {  	s2 =	sld [smem:$0x3FB0]  }
0x29: {  	s4 =	sld [smem:$0x3FB2]  }
0x2a: {  	p0 =	seq.s32 s5, $0x0;
	s5 =	sld [smem:$0x3FB3]  }
0x2b: {  	s6 =	sld [smem:$0x3FB4]  }
0x2c: {  	s7 =	sld [smem:$0x3FB5]  }
0x2d: {  	s3 =	simm.s32 $0x108;
	s8 =	sld [smem:$0x3FB6]  }
0x2e: {  	s3 =	simm.s32 @!p0 $0x1082;
	s9 =	sld [smem:$0x3FB7]  }
0x2f: {  	lr =	sadd.s32 s0, s3;
	s0 =	sld [smem:$0x3FAE]  }
0x30: {  	s3 =	sld [smem:$0x3FB1]  }
0x31: {  	[smem:$0x3FBA] =	sst s10  }
0x32: {  	s10 =	sld [smem:$0x3FB8];
	_ =	sdelay $0x3  }
0x33: {  	p0 =	seq.s32 s10, $0x1;
	s10 =	sld [smem:$0x3FBA];
	_ =	sdelay $0x3  }
0x34: {  	[smem:$0x3FBA] =	sst s10  }
0x35: {  	s10 =	sld [smem:$0x3FB9];
	_ =	sdelay $0x3  }
0x36: {  	p1 =	seq.s32 s10, $0x1;
	s10 =	sld [smem:$0x3FBA];
	_ =	sdelay $0x3  }
0x37: {  	[smem:$0x3FBA] =	sst s10  }
0x38: {  	s10 =	sld [smem:$0x3FBB]  }
0x39: {  	_ = 	snop;
	(pc) =	sbr.ind lr, $3  }
0x3a: {  	_ = 	snop  }
0x3b: {  	_ = 	snop  }
0x3c: {  	p2 =	seq.s32 s10, $0x1;
	s10 =	sld [smem:$0x3FBA]  }
0x3d: {  	_ =	shalt  }
0x3e: {  	_ =	shalt  }
0x3f: {  	_ =	shalt  }
0x40: {  	_ =	shalt  }
0x41: {  	_ =	shalt  }
0x42: {  	_ =	shalt  }
0x43: {  	_ =	shalt  }
0x44: {  	_ =	shalt  }
0x45: {  	_ =	shalt  }
0x46: {  	_ =	shalt  }
0x47: {  	_ =	shalt  }
0x48: {  	_ =	shalt  }
0x49: {  	_ =	shalt  }
0x4a: {  	_ =	shalt  }
0x4b: {  	_ =	shalt  }
0x4c: {  	_ =	shalt  }
0x4d: {  	_ =	shalt  }
0x4e: {  	_ =	shalt  }
0x4f: {  	_ =	shalt  }
0x50: {  	_ =	shalt  }
0x51: {  	_ =	shalt  }
0x52: {  	_ =	shalt  }
0x53: {  	_ =	shalt  }
0x54: {  	_ =	shalt  }
0x55: {  	_ =	shalt  }
0x56: {  	_ =	shalt  }
0x57: {  	_ =	shalt  }
0x58: {  	_ =	shalt  }
0x59: {  	_ =	shalt  }
0x5a: {  	_ =	shalt  }
0x5b: {  	_ =	shalt  }
0x5c: {  	_ =	shalt  }
0x5d: {  	_ =	shalt  }
0x5e: {  	_ =	shalt  }
0x5f: {  	_ =	shalt  }
0x60: {  	_ =	shalt  }
0x61: {  	_ =	shalt  }
0x62: {  	_ =	shalt  }
0x63: {  	_ =	shalt  }
0x64: {  	_ =	shalt  }
0x65: {  	_ =	shalt  }
0x66: {  	_ =	shalt  }
0x67: {  	_ =	shalt  }
0x68: {  	_ =	shalt  }
0x69: {  	_ =	shalt  }
0x6a: {  	_ =	shalt  }
0x6b: {  	_ =	shalt  }
0x6c: {  	_ =	shalt  }
0x6d: {  	_ =	shalt  }
0x6e: {  	_ =	shalt  }
0x6f: {  	_ =	shalt  }
0x70: {  	_ =	shalt  }
0x71: {  	_ =	shalt  }
0x72: {  	_ =	shalt  }
0x73: {  	_ =	shalt  }
0x74: {  	_ =	shalt  }
0x75: {  	_ =	shalt  }
0x76: {  	_ =	shalt  }
0x77: {  	_ =	shalt  }
0x78: {  	_ =	shalt  }
0x79: {  	_ =	shalt  }
0x7a: {  	_ =	shalt  }
0x7b: {  	_ =	shalt  }
0x7c: {  	_ =	shalt  }
0x7d: {  	_ =	shalt  }
0x7e: {  	_ =	shalt  }
0x7f: {  	_ =	shalt  }
0x80: {  	_ =	shalt  }
0x81: {  	_ =	shalt  }
0x82: {  	_ =	shalt  }
0x83: {  	_ =	shalt  }
0x84: {  	_ =	shalt  }
0x85: {  	_ =	shalt  }
0x86: {  	_ =	shalt  }
0x87: {  	_ =	shalt  }
.Lfunc_end0:
.L_simem_size_0:
called_computation.1_lowered:
.L_overlay_start_0:
0x88: {  	s2 =	sld [smem:$0x3FD9]  }
0x89: {  	s3 =	sld [smem:$0x3FFE];
	_ =	sdelay $0x1  }
0x8a: {  	s1 =	srdreg.scid  }
0x8b: {  	s0 =	sand.u32 $0x1, s1  }
0x8c: {  	s14 =	sshll.u32 s0, $0xA;
	s2 =	sadd.s32 s3, s2  }
0x8d: {  	s2 =	sadd.s32 s2, s14  }
0x8e: {  	[smem:$0x3FC6] =	sst s2  }
0x8f: {  	_ = 	snop  }
0x90: {  	s2 =	sld [smem:$0x3FD0];
	_ =	sdelay $0x2  }
0x91: {  	s15 =	simm.s32 $0xA;
	s4 =	simm.s32 $0x10  }
0x92: {  	[smem:s4], [sflag:s15] =	dma.local [hbm:s2], $0x1  }
0x93: {  	_ =	swait.eq [sflag:s15], $0x1  }
0x94: {  	[sflag:s15] =	ssyncset.done $0x0  }
0x95: {  	[sflag:s15] =	ssyncadd.s32 $0xFFFFFFFF  }
0x96: {  	s16 =	sld [smem:$0x11];
	(tm) =	ssettm $0x1  }
0x97: {  	s17 =	sld [smem:$0x3FFB];
	_ =	sdelay $0x3  }
0x98: {  	_ =	strace s17  }
0x99: {  	s3 =	sld [smem:$0x3FFC];
	_ =	sdelay $0x3  }
0x9a: {  	_ =	strace s3  }
0x9b: {  	s3 =	sld [smem:$0x3FFD];
	_ =	sdelay $0x3  }
0x9c: {  	_ =	strace s3  }
0x9d: {  	_ =	strace $0x8FFFFFFF  }
0x9e: {  	s18 =	sld [smem:$0x3FDB];
	_ =	sdelay $0x1  }
0x9f: {  	s19 =	simm.s32 $_scs_section_size  }
0xa0: {  	s5 =	simm.s32 $_size__tile_overlayer_lowered;
	s6 =	simm.s32 $_tile_overlayer_lowered  }
0xa1: {  	s22 =	simm.s32 $0x1BFF;
	s21 =	sshll.u32 s6, $0x1;
	s3 =	sadd.s32 s19, s18  }
0xa2: {  	s7 =	simm.s32 $0x0;
	s20 =	sshll.u32 s5, $0x1;
	s5 =	sadd.s32 s21, s3  }
0xa3: {  	[timem:s7], [sflag:s22] =	dma.local [hbm:s5], s20  }
0xa4: {  	_ =	swait.ge [sflag:s22], s20  }
0xa5: {  	s4 =	ssub.s32 $0x0, s20;
	[sflag:s22] =	ssyncset.done $0x0  }
0xa6: {  	[sflag:s22] =	ssyncadd.s32 s4;
	_ =	sdelay $0x1  }
0xa7: {  	s23 =	simm.s32 $0x1B8B  }
0xa8: {  	_ =	swait.ge [sflag:s23], $0x1  }
0xa9: {  	[sflag:s23] =	ssyncset.done $0x0  }
0xaa: {  	s25 =	simm.s32 $0x1B8E;
	s24 =	sld [smem:$0x3FFE];
	[sflag:s23] =	ssyncadd.s32 $0xFFFFFFFF  }
0xab: {  	s26 =	simm.s32 $execute0_lowered;
	[smem:$0x3FD2] =	sst s25  }
0xac: {  	s5 =	sshll.u32 s26, $0x1;
	_ =	strace $0x80000049;
	[dreg:$0x1] =	wrdreg $0xFFFFFFFF  }
0xad: {  	s28 =	simm.s32 $_size_execute0_lowered;
	s3 =	sadd.s32 s3, s5;
	[dreg:$0x0] =	wrdreg $0x0  }
0xae: {  	s5 =	sshll.u32 s28, $0x1;
	[dreg:$0x2] =	wrdreg s3  }
0xaf: {  	[dreg:$0x3] =	wrdreg s5  }
0xb0: {  	[dreg:$0x4] =	wrdreg $0xC0  }
0xb1: {  	_ =	task [dreg:s7], $0x5FFFF  }
0xb2: {  	[dreg:$0x1] =	wrdreg $0xFFFFFFFF  }
0xb3: {  	[dreg:$0x0] =	wrdreg $0x60  }
0xb4: {  	[dreg:$0x2] =	wrdreg s16  }
0xb5: {  	[dreg:$0x3] =	wrdreg s24  }
0xb6: {  	[dreg:$0x4] =	wrdreg $0x1BF800  }
0xb7: {  	[dreg:$0x5] =	wrdreg $0x1D8000  }
0xb8: {  	[dreg:$0x6] =	wrdreg $0x9  }
0xb9: {  	_ =	task.clear_ibuf [dreg:s7], $0x7FFFF;
	_ =	strace $0x90000049  }
0xba: {  	s29 =	simm.s32 $0x9;
	_ =	strace $0x8000004B  }
0xbb: {  	_ =	swait.ge [sflag:s29], $0x1  }
0xbc: {  	[sflag:s29] =	ssyncadd.s32 $0xFFFFFFFF  }
0xbd: {  	_ =	strace $0x9000004B  }
0xbe: {  	_ =	sfence  }
0xbf: {  	s30 =	sld [smem:$0x0];
	_ =	sdelay $0x2  }
0xc0: {  	s31 =	sshll.u32 s1, $0xD;
	s1 =	sshrl.u32 s1, $0x2  }
0xc1: {  	s3 =	sand.u32 $0x4000, s31;
	s1 =	sadd.s32 s1, s30  }
0xc2: {  	s0 =	sor.u32 s3, s0;
	s1 =	sshll.u32 s1, $0x11  }
0xc3: {  	s0 =	sor.u32 s1, s0  }
0xc4: {  	s0 =	sadd.s32 $0x8F2B, s0  }
0xc5: {  	[sflag:s0] =	ssyncadd.remote.s32 $0x1  }
0xc6: {  	_ =	sfence.sel $0xFFFF  }
0xc7: {  	[dreg:$0x0] =	wrdreg $0xFFFFFFFF;
	(pc) =	sbr.abs _section_cstart, $3  }
0xc8: {  	[dreg:$0x1] =	wrdreg $0xFFFFFFFF  }
0xc9: {  	_ =	task.clear_ibuf [dreg:s7], $0x2FFFF;
	_ =	strace $0x9FFFFFFF  }
0xca: {  	(tm) =	ssettm $0x7FFFFFFF  }
0xcb: {  	_ =	shalt  }
tec
execute0_lowered:
.L_overlay_start_1:
0x0: {  	(tag) =	ssettag $0x1  }
0x1: {  	s1 =	rddreg [dreg:$0x0]  }
0x2: {  	s8 =	rddreg [dreg:$0x1]  }
0x3: {  	s3 =	rddreg [dreg:$0x2]  }
0x4: {  	s4 =	rddreg [dreg:$0x3]  }
0x5: {  	s0 =	rddreg [dreg:$0x4]  }
0x6: {  	s6 =	srdreg.scid;
	s2 =	stileid.u32  }
0x7: {  	s5 =	simm.s32 $0x0;
	s15 =	simm.s32 $0x1A700;
	s16 =	simm.s32 $0x18700  }
0x8: {  	s17 =	simm.s32 $0x18F00;
	s18 =	simm.s32 $0x7D0;
	s19 =	simm.s32 $0x19700  }
0x9: {  	s20 =	simm.s32 $0x19F00;
	s9 =	sand.u32 $0x1, s6;
	s10 =	smul.u32 $0x1880, s2  }
0xa: {  	s21 =	simm.s32 $0x0;
	[smem:$0x7FF] =	sst s5;
	s11 =	smul.u32 $0x18800, s9  }
0xb: {  	s6 =	sadd.s32 $0xC4C00, s8;
	s7 =	sadd.s32 $0x1600, s8;
	_ =	strace $0x8000004A  }
0xc: {  	s12 =	ssub.s32 $0x2, s9;
	s9 =	sshll.u32 s9, $0x4;
	s11 =	sadd.s32 s10, s11  }
0xd: {  	s31 =	sshrl.u32 s12, $0x1;
	s9 =	sor.u32 s2, s9;
	s11 =	sshrl.u32 s11, $0x3  }
0xe: {  	s14 =	ssub.s32 s12, s31;
	s9 =	smul.u32 $0x30D40, s9;
	s13 =	sadd.s32 s11, s8  }
0xf: {  	s8 =	sadd.s32 s10, s3;
	s10 =	sadd.s32 s10, s4;
	s11 =	sadd.s32 $0x18E400, s13  }
0x10: {  	v0 =	vimm.f32 $0.0e+00;
	s12 =	sadd.s32 $0x194600, s13;
	s13 =	smax.u32 s14, $0x1;
	s14 =	simm.s32 $0x1  }
.LBB2_1:
0x11: {  	[tilespmem:s5], [sflag:$0x1] =	stream.linear.gather [hbm4b:s1+s5], $0x18700, $0x38;
	[tilespmem:$0x1F080] =	vst v63  }
0x12: {  	_ =	swait.ge [sflag:s14], $0x18700  }
0x13: {  	[sflag:s14] =	ssyncset.done $0x0  }
0x14: {  	s22 =	simm.s32 $0x40;
	s23 =	simm.s32 $0x0;
	[sflag:s14] =	ssyncadd.s32 $0xFFFE7900  }
.LBB2_2:
0x15: {  	p0 =	sne.s32 s22, $0x61C0;
	[tilespmem:s23+$0x1A700] =	vst v0;
	s23 =	smov.u32 s22;
	s22 =	sadd.s32 $0x40, s22  }
.Ltmp0:
0x16: {  	(pc) =	sbr.rel @p0 .LBB2_2-.Ltmp0, $2  }
0x17: {  	_ =	sdelay $0x2  }
0x18: {  	s23 =	sshra.s32 s23, $0x2  }
0x19: {  	[tilespmem:s23+$0x1A700] =	vst v0  }
0x1a: {  	[spmem:s8] =	stream.linear.scatter [tilespmem:s15], [sflag:$0x1], $0x1880, $0x38;
	[tilespmem:$0x1F080] =	vst v63  }
0x1b: {  	_ =	swait.ge [sflag:s14], $0x1880  }
0x1c: {  	[sflag:s14] =	ssyncset.done $0x0  }
0x1d: {  	[sflag:s14] =	ssyncadd.s32 $0xFFFFE780  }
0x1e: {  	[spmem:s10] =	stream.linear.scatter [tilespmem:s15], [sflag:$0x1], $0x1880, $0x38;
	[tilespmem:$0x1F080] =	vst v63  }
0x1f: {  	_ =	swait.ge [sflag:s14], $0x1880  }
0x20: {  	[sflag:s14] =	ssyncset.done $0x0  }
0x21: {  	[sflag:s14] =	ssyncadd.s32 $0xFFFFE780  }
0x22: {  	s22 =	simm.s32 $0x0;
	s23 =	simm.s32 $0x0;
	[bflag:$0x0] =	sbarrier.arrive $0xFFFF  }
.LBB2_4:
0x23: {  	s24 =	smul.u32 $0x7D0, s23;
	_ =	sdelay $0x1  }
0x24: {  	s24 =	sadd.s32 s9, s24  }
0x25: {  	s24 =	sshrl.u32 s24, $0x3  }
0x26: {  	s25 =	sadd.s32 s6, s24  }
0x27: {  	[tilespmem:s16], [sflag:$0x1] =	stream.linear.gather [hbm4b:s25+s22], $0x7D0, $0x38;
	[tilespmem:$0x1F080] =	vst v63  }
0x28: {  	_ =	swait.ge [sflag:s14], $0x7D0  }
0x29: {  	[sflag:s14] =	ssyncset.done $0x0  }
0x2a: {  	s24 =	sadd.s32 s7, s24;
	[sflag:s14] =	ssyncadd.s32 $0xFFFFF830  }
0x2b: {  	[tilespmem:s17], [sflag:$0x1] =	stream.linear.gather [hbm4b:s24+s22], $0x7D0, $0x38;
	[tilespmem:$0x1F080] =	vst v63  }
0x2c: {  	_ =	swait.ge [sflag:s14], $0x7D0  }
0x2d: {  	[sflag:s14] =	ssyncset.done $0x0  }
0x2e: {  	s24 =	simm.s32 $0x0;
	[sflag:s14] =	ssyncadd.s32 $0xFFFFF830  }
0x2f: {  	v2 =	vld [tilespmem:s24+$0x18700];
	_ =	sdelay $0x5  }
0x30: {  	v1 =	vld [tilespmem:s24+$0x18F00];
	_ =	sdelay $0x1  }
0x31: {  	v2 =	vld.idx.msk [tilespmem:v2+s5+$0x0], $0xffff;
	_ =	sdelay $0x3  }
0x32: {  	s26 =	simm.s32 $0x80;
	s25 =	simm.s32 $0x10  }
.LBB2_5:
0x33: {  	p0 =	sne.s32 s26, $0x1F00;
	v3 =	vld [tilespmem:s25+$0x18700];
	[tilespmem:s24+$0x19700] =	vst v2  }
0x34: {  	v2 =	vld.idx.msk [tilespmem:v1+s5+$0x0], $0xffff;
	_ =	sdelay $0x5  }
0x35: {  	v1 =	vld [tilespmem:s25+$0x18F00];
	[tilespmem:s24+$0x19F00] =	vst v2;
	s24 =	smov.u32 s25  }
0x36: {  	v2 =	vld.idx.msk [tilespmem:v3+s5+$0x0], $0xffff  }
.Ltmp1:
0x37: {  	(pc) =	sbr.rel @p0 .LBB2_5-.Ltmp1, $2  }
0x38: {  	_ =	sdelay $0x2  }
0x39: {  	s25 =	sshra.s32 s26, $0x2;
	s26 =	sadd.s32 $0x40, s26  }
0x3a: {  	_ =	sdelay $0x1  }
0x3b: {  	v3 =	vld [tilespmem:s25+$0x18700]  }
0x3c: {  	[tilespmem:s24+$0x19700] =	vst v2  }
0x3d: {  	v1 =	vld.idx.msk [tilespmem:v1+s5+$0x0], $0xffff;
	_ =	sdelay $0x3  }
0x3e: {  	v2 =	vld [tilespmem:s25+$0x18F00]  }
0x3f: {  	[tilespmem:s24+$0x19F00] =	vst v1  }
0x40: {  	v1 =	vld.idx.msk [tilespmem:v3+s5+$0x0], $0xffff;
	_ =	sdelay $0x4  }
0x41: {  	[tilespmem:s25+$0x19700] =	vst v1  }
0x42: {  	v1 =	vld.idx.msk [tilespmem:v2+s5+$0x0], $0xffff;
	_ =	sdelay $0x4  }
0x43: {  	[tilespmem:s25+$0x19F00] =	vst v1  }
0x44: {  	[spmem:s3] =	stream.indirect.scatter.add.f32 [tilespmem:s19], [sflag:$0x1], $0x1, s17, s18, $0xb8;
	[tilespmem:$0x1F080] =	vst v63  }
0x45: {  	s23 =	sadd.s32 $0x1, s23;
	_ =	swait.ge [sflag:s14], $0x7D0  }
0x46: {  	p0 =	sne.s32 s23, $0x64;
	[sflag:s14] =	ssyncset.done $0x0  }
.Ltmp2:
0x47: {  	[sflag:s14] =	ssyncadd.s32 $0xFFFFF830;
	(pc) =	sbr.rel @p0 .LBB2_4-.Ltmp2, $4  }
0x48: {  	[spmem:s4] =	stream.indirect.scatter.add.f32 [tilespmem:s20], [sflag:$0x1], $0x1, s16, s18, $0xb8;
	[tilespmem:$0x1F080] =	vst v63  }
0x49: {  	_ =	swait.ge [sflag:s14], $0x7D0  }
0x4a: {  	[sflag:s14] =	ssyncset.done $0x0  }
0x4b: {  	[sflag:s14] =	ssyncadd.s32 $0xFFFFF830  }
0x4c: {  	[bflag:$0x0] =	sbarrier.arrive $0xFFFF  }
0x4d: {  	[tilespmem:s15], [sflag:$0x1] =	stream.linear.gather [spmem:s8], $0x1880, $0x38;
	[tilespmem:$0x1F080] =	vst v63  }
0x4e: {  	_ =	swait.ge [sflag:s14], $0x1880  }
0x4f: {  	[sflag:s14] =	ssyncset.done $0x0  }
0x50: {  	[sflag:s14] =	ssyncadd.s32 $0xFFFFE780  }
0x51: {  	[hbm4b:s11+s5] =	stream.linear.scatter [tilespmem:s15], [sflag:$0x1], $0x1880, $0x38;
	[tilespmem:$0x1F080] =	vst v63  }
0x52: {  	_ =	swait.ge [sflag:s14], $0x1880  }
0x53: {  	[sflag:s14] =	ssyncset.done $0x0  }
0x54: {  	[sflag:s14] =	ssyncadd.s32 $0xFFFFE780  }
0x55: {  	[tilespmem:s15], [sflag:$0x1] =	stream.linear.gather [spmem:s10], $0x1880, $0x38;
	[tilespmem:$0x1F080] =	vst v63  }
0x56: {  	s21 =	sadd.s32 $0x1, s21;
	_ =	swait.ge [sflag:s14], $0x1880  }
0x57: {  	p0 =	sne.s32 s21, s13;
	[sflag:s14] =	ssyncset.done $0x0  }
.Ltmp3:
0x58: {  	[sflag:s14] =	ssyncadd.s32 $0xFFFFE780;
	(pc) =	sbr.rel @p0 .LBB2_1-.Ltmp3, $4  }
0x59: {  	[hbm4b:s12+s5] =	stream.linear.scatter [tilespmem:s15], [sflag:$0x1], $0x1880, $0x38;
	[tilespmem:$0x1F080] =	vst v63  }
0x5a: {  	_ =	swait.ge [sflag:s14], $0x1880  }
0x5b: {  	[sflag:s14] =	ssyncset.done $0x0  }
0x5c: {  	[sflag:s14] =	ssyncadd.s32 $0xFFFFE780  }
0x5d: {  	_ =	sfence.sel $0x180000  }
0x5e: {  	[bflag:$0x0] =	sbarrier.arrive $0xFFFF  }
0x5f: {  	p0 =	sne.s32 s2, $0x0;
	_ =	strace $0x9000004A  }
0x60: {  	s0 =	sadd.s32 @!p0 $0x100000, s0;
	[bflag:$0x2] =	sbarrier.arrive $0xFFFF  }
0x61: {  	[sflag:s0] =	ssyncadd.tile.s32 @!p0 $0x1;
	_ =	shalt  }
.Lfunc_end2:
_tile_overlayer_lowered:
.L_overlay_start_2:
0x62: {  	(tag) =	ssettag $0x2  }
0x63: {  	s0 =	rddreg [dreg:$0x0];
	s2 =	stileid.u32  }
0x64: {  	s1 =	rddreg [dreg:$0x1];
	p0 =	sne.s32 s2, $0x0  }
0x65: {  	s3 =	rddreg [dreg:$0x2];
	[bflag:$0x3] =	sbarrier.arrive $0xFFFF;
	s2 =	simm.s32 @!p0 $0x1C01  }
0x66: {  	[timem:s3], [sflag:s2] =	dma.local @!p0 [hbm:s0], s1  }
0x67: {  	s0 =	simm.s32 @!p0 $0x1  }
0x68: {  	_ =	swait.ge @!p0 [sflag:s0], s1  }
0x69: {  	s1 =	ssub.s32 @!p0 $0x0, s1;
	[sflag:s0] =	ssyncset.done @!p0 $0x0  }
0x6a: {  	[sflag:s0] =	ssyncadd.s32 @!p0 s1  }
0x6b: {  	[bflag:$0x3] =	sbarrier.arrive $0xFFFF  }
0x6c: {  	_ =	shalt  }

</sc_bundles>
